<compile_context>
chip_gen: v7x
topology: tpu7x:2x2x1
jax: 0.10.2.dev20260603
libtpu: 0.0.44.dev20260713+nightly
codegen_flags: <defaults>
</compile_context>

<pallas_src>
import functools

import jax
import jax.numpy as jnp
from jax import lax
from jax.experimental import pallas as pl
from jax.experimental.pallas import tpu as pltpu
from jax.experimental.pallas import tpu_sc as plsc

B = 16384
TEAM_DIM = 64
CITY_DIM = 32
HIDDEN = 128

NC, NS = 2, 16
NW = NC * NS
CHUNK = 128


@functools.cache
def _make_gather(nrows):
  rpw = nrows // NW
  nch = rpw // CHUNK

  def _gather_body(ta_hbm, tb_hbm, tc_hbm, team_hbm, city_hbm,
                   xt_hbm, xc_hbm,
                   idx_a, idx_b, idx_c, rows_a, rows_b, rows_c, sem):
    wid = lax.axis_index("s") * NC + lax.axis_index("c")
    base = wid * rpw
    pltpu.sync_copy(ta_hbm.at[pl.ds(base, rpw)], idx_a)
    pltpu.sync_copy(tb_hbm.at[pl.ds(base, rpw)], idx_b)
    pltpu.sync_copy(tc_hbm.at[pl.ds(base, rpw)], idx_c)
    copies = []
    for j in range(nch):
        sl = pl.ds(j * CHUNK, CHUNK)
        copies.append(pltpu.async_copy(
            team_hbm.at[idx_a.at[sl]], rows_a.at[sl], sem))
        copies.append(pltpu.async_copy(
            team_hbm.at[idx_b.at[sl]], rows_b.at[sl], sem))
        copies.append(pltpu.async_copy(
            city_hbm.at[idx_c.at[sl]], rows_c.at[sl], sem))
    for c in copies:
        c.wait()
    pltpu.sync_copy(rows_a, xt_hbm.at[wid, :, pl.ds(0, TEAM_DIM)])
    pltpu.sync_copy(rows_b, xt_hbm.at[wid, :, pl.ds(TEAM_DIM, TEAM_DIM)])
    pltpu.sync_copy(rows_c, xc_hbm.at[wid, :, pl.ds(0, CITY_DIM)])

  return pl.kernel(
    _gather_body,
    out_type=(
        jax.ShapeDtypeStruct((NW, rpw, 2 * TEAM_DIM), jnp.float32),
        jax.ShapeDtypeStruct((NW, rpw, 128), jnp.float32),
    ),
    mesh=plsc.VectorSubcoreMesh(core_axis_name="c", subcore_axis_name="s",
                                num_cores=NC, num_subcores=NS),
    scratch_types=[
        pltpu.VMEM((rpw,), jnp.int32),
        pltpu.VMEM((rpw,), jnp.int32),
        pltpu.VMEM((rpw,), jnp.int32),
        pltpu.VMEM((rpw, TEAM_DIM), jnp.float32),
        pltpu.VMEM((rpw, TEAM_DIM), jnp.float32),
        pltpu.VMEM((rpw, CITY_DIM), jnp.float32),
        pltpu.SemaphoreType.DMA,
    ],
    compiler_params=pltpu.CompilerParams(use_tc_tiling_on_sc=False),
  )


def _mlp_body(xt_ref, xc_ref, xn_ref, wt_ref, wc_ref, w1n_ref,
              b1_ref, w2_ref, b2_ref, out_ref):
    blk = xt_ref.shape[0]
    lane = lax.broadcasted_iota(jnp.int32, (blk, 128), 1)
    xc = jnp.where(lane < CITY_DIM, xc_ref[...], 0.0)
    xn = xn_ref[...].T
    h = jnp.dot(xt_ref[...], wt_ref[...], preferred_element_type=jnp.float32)
    h = h + jnp.dot(xc, wc_ref[...], preferred_element_type=jnp.float32)
    h = h + jnp.dot(xn, w1n_ref[...], preferred_element_type=jnp.float32)
    h = jnp.maximum(h + b1_ref[...], 0.0)
    out_ref[...] = jnp.sum(h * w2_ref[...], axis=1) + b2_ref[0]


def _mlp(xt, xc, x_num_t, wt, wc, w1n, b1r, w2r, b2, block=4096):
    nrows = xt.shape[0]
    grid = (nrows // block,)
    wspec = lambda shape: pl.BlockSpec(shape, lambda i: (0, 0))
    return pl.pallas_call(
        _mlp_body,
        grid=grid,
        in_specs=[
            pl.BlockSpec((block, 2 * TEAM_DIM), lambda i: (i, 0)),
            pl.BlockSpec((block, 128), lambda i: (i, 0)),
            pl.BlockSpec((2, block), lambda i: (0, i)),
            wspec((2 * TEAM_DIM, HIDDEN)),
            wspec((128, HIDDEN)),
            wspec((2, HIDDEN)),
            wspec((1, HIDDEN)),
            wspec((1, HIDDEN)),
            pl.BlockSpec(memory_space=pltpu.SMEM),
        ],
        out_specs=pl.BlockSpec((block,), lambda i: (i,)),
        out_shape=jax.ShapeDtypeStruct((nrows,), jnp.float32),
    )(xt, xc, x_num_t, wt, wc, w1n, b1r, w2r, b2)


def kernel(team_a_id, team_b_id, city_id, x_num, team_emb, city_emb, W1, b1, W2, b2):
    ta = team_a_id.astype(jnp.int32)
    tb = team_b_id.astype(jnp.int32)
    tc = city_id.astype(jnp.int32)
    w1t = W1.T
    wt = w1t[0:2 * TEAM_DIM]
    wc = jnp.concatenate(
        [w1t[2 * TEAM_DIM:2 * TEAM_DIM + CITY_DIM],
         jnp.zeros((128 - CITY_DIM, HIDDEN), jnp.float32)], axis=0)
    w1n = w1t[2 * TEAM_DIM + CITY_DIM:]
    b1r = b1.reshape(1, HIDDEN)
    w2r = W2.reshape(1, HIDDEN)

    half = B // 2
    gather = _make_gather(half)
    xnt = x_num.T
    outs = []
    for h in range(2):
        sl = slice(h * half, (h + 1) * half)
        xt, xc = gather(ta[sl], tb[sl], tc[sl], team_emb, city_emb)
        outs.append(_mlp(xt.reshape(half, 2 * TEAM_DIM), xc.reshape(half, 128),
                         xnt[:, sl], wt, wc, w1n, b1r, w2r, b2))
    return jnp.concatenate(outs)

# --- scband reference (transcript-rebuilt; emitter-appended) ---
"""Pipeline reference for scband-win-pred-model-35201551958726 (READ-ONLY COPY).

The authoritative reference and input builder live on the scoring server;
editing this copy changes nothing except your own understanding.
"""

import jax, jax.numpy as jnp
import numpy as np

B = 16384
N_TEAMS = 100000
N_CITIES = 1000
TEAM_DIM = 64
CITY_DIM = 32
HIDDEN = 128
IN_FEATURES = TEAM_DIM + TEAM_DIM + CITY_DIM + 2  # 162


def setup_inputs(seed: int = 0) -> dict:
    key = jax.random.key(seed)
    ks = jax.random.split(key, 10)
    team_a_id = jax.random.randint(ks[0], (B,), 0, N_TEAMS, dtype=jnp.int64 if jax.config.jax_enable_x64 else jnp.int32)
    team_b_id = jax.random.randint(ks[1], (B,), 0, N_TEAMS, dtype=jnp.int64 if jax.config.jax_enable_x64 else jnp.int32)
    city_id = jax.random.randint(ks[2], (B,), 0, N_CITIES, dtype=jnp.int64 if jax.config.jax_enable_x64 else jnp.int32)
    x_num = jax.random.normal(ks[3], (B, 2), dtype=jnp.float32)
    team_emb = jax.random.normal(ks[4], (N_TEAMS, TEAM_DIM), dtype=jnp.float32) * 0.05
    city_emb = jax.random.normal(ks[5], (N_CITIES, CITY_DIM), dtype=jnp.float32) * 0.05
    W1 = jax.random.normal(ks[6], (HIDDEN, IN_FEATURES), dtype=jnp.float32) * (1.0 / np.sqrt(IN_FEATURES))
    b1 = jnp.zeros((HIDDEN,), dtype=jnp.float32)
    W2 = jax.random.normal(ks[7], (1, HIDDEN), dtype=jnp.float32) * (1.0 / np.sqrt(HIDDEN))
    b2 = jnp.zeros((1,), dtype=jnp.float32)
    return {
        "team_a_id": team_a_id,
        "team_b_id": team_b_id,
        "city_id": city_id,
        "x_num": x_num,
        "team_emb": team_emb,
        "city_emb": city_emb,
        "W1": W1,
        "b1": b1,
        "W2": W2,
        "b2": b2,
    }


def reference(team_a_id, team_b_id, city_id, x_num, team_emb, city_emb, W1, b1, W2, b2):
    # Embedding lookups (SparseCore gathers)
    ea = jnp.take(team_emb, team_a_id, axis=0)
    eb = jnp.take(team_emb, team_b_id, axis=0)
    ec = jnp.take(city_emb, city_id, axis=0)
    x = jnp.concatenate([ea, eb, ec, x_num], axis=1)
    # MLP (dropout is identity in eval mode)
    h = jnp.maximum(x @ W1.T + b1, 0.0)
    out = h @ W2.T + b2
    return out.squeeze(1)

if __name__ == "__main__":
    import jax
    _d = setup_inputs()
    print(jax.jit(kernel)(*tuple(_d.values())))

</pallas_src>

<mosaic_0001>
#map = affine_map<(d0, d1) -> (0)>
#map1 = affine_map<(d0, d1) -> (0, 0)>
#map2 = affine_map<(d0, d1) -> (0, 0, 0)>
module attributes {stable_mosaic.version = 14 : i64} {
  func.func @_gather_body(%arg0: i32, %arg1: i32, %arg2: memref<8192xi32, #tpu.memory_space<hbm>>, %arg3: memref<8192xi32, #tpu.memory_space<hbm>>, %arg4: memref<8192xi32, #tpu.memory_space<hbm>>, %arg5: memref<100000x64xf32, #tpu.memory_space<hbm>>, %arg6: memref<1000x32xf32, #tpu.memory_space<hbm>>, %arg7: memref<32x256x128xf32, #tpu.memory_space<hbm>>, %arg8: memref<32x256x128xf32, #tpu.memory_space<hbm>>, %arg9: memref<256xi32, #tpu.memory_space<vmem>>, %arg10: memref<256xi32, #tpu.memory_space<vmem>>, %arg11: memref<256xi32, #tpu.memory_space<vmem>>, %arg12: memref<256x64xf32, #tpu.memory_space<vmem>>, %arg13: memref<256x64xf32, #tpu.memory_space<vmem>>, %arg14: memref<256x32xf32, #tpu.memory_space<vmem>>, %arg15: memref<!tpu.dma_semaphore, #tpu.memory_space<semaphore_mem>>) attributes {dimension_semantics = [#tpu.dimension_semantics<core_parallel>, #tpu.dimension_semantics<subcore_parallel>], iteration_bounds = array<i64: 2, 16>, scalar_prefetch = 0 : i64, scratch_operands = 7 : i64, tpu.core_type = #tpu.core_type<sc_vector_subcore>, window_params = [{transform_indices = #map}, {transform_indices = #map}, {transform_indices = #map}, {transform_indices = #map1}, {transform_indices = #map1}, {transform_indices = #map2}, {transform_indices = #map2}]} {
    %mul3A = arith.constant 2 : i32
    %mul3A_0 = arith.muli %arg1, %mul3A : i32
    %add3A = arith.addi %mul3A_0, %arg0 : i32
    %mul3A_1 = arith.constant 256 : i32
    %mul3A_2 = arith.muli %add3A, %mul3A_1 : i32
    "tpu.region"() ({
      %run_scoped3A = tpu.sem_alloc : memref<!tpu.dma_semaphore, #tpu.memory_space<semaphore_mem>>
      %dma_start3A_97 = tpu.memref_slice %arg2[%mul3A_2] : memref<8192xi32, #tpu.memory_space<hbm>> -> memref<256xi32, #tpu.memory_space<hbm>>
      %dma_start3A_98 = tpu.memref_slice %arg2[%mul3A_2] : memref<8192xi32, #tpu.memory_space<hbm>> -> memref<256xi32, #tpu.memory_space<hbm>>
      tpu.enqueue_dma source(%dma_start3A_98 : memref<256xi32, #tpu.memory_space<hbm>>) target(%arg9 : memref<256xi32, #tpu.memory_space<vmem>>) target_semaphore(%run_scoped3A : memref<!tpu.dma_semaphore, #tpu.memory_space<semaphore_mem>>)
      %dma_wait3A_99 = tpu.memref_slice %arg2[%mul3A_2] : memref<8192xi32, #tpu.memory_space<hbm>> -> memref<256xi32, #tpu.memory_space<hbm>>
      %dma_wait3A_100 = tpu.memref_slice %arg2[%mul3A_2] : memref<8192xi32, #tpu.memory_space<hbm>> -> memref<256xi32, #tpu.memory_space<hbm>>
      tpu.wait_dma2 semaphore(%run_scoped3A : memref<!tpu.dma_semaphore, #tpu.memory_space<semaphore_mem>>) src(%dma_wait3A_100 : memref<256xi32, #tpu.memory_space<hbm>>) dst(%arg9 : memref<256xi32, #tpu.memory_space<vmem>>)
      tpu.yield
    }) : () -> ()
    "tpu.region"() ({
      %run_scoped3A = tpu.sem_alloc : memref<!tpu.dma_semaphore, #tpu.memory_space<semaphore_mem>>
      %dma_start3A_97 = tpu.memref_slice %arg3[%mul3A_2] : memref<8192xi32, #tpu.memory_space<hbm>> -> memref<256xi32, #tpu.memory_space<hbm>>
      %dma_start3A_98 = tpu.memref_slice %arg3[%mul3A_2] : memref<8192xi32, #tpu.memory_space<hbm>> -> memref<256xi32, #tpu.memory_space<hbm>>
      tpu.enqueue_dma source(%dma_start3A_98 : memref<256xi32, #tpu.memory_space<hbm>>) target(%arg10 : memref<256xi32, #tpu.memory_space<vmem>>) target_semaphore(%run_scoped3A : memref<!tpu.dma_semaphore, #tpu.memory_space<semaphore_mem>>)
      %dma_wait3A_99 = tpu.memref_slice %arg3[%mul3A_2] : memref<8192xi32, #tpu.memory_space<hbm>> -> memref<256xi32, #tpu.memory_space<hbm>>
      %dma_wait3A_100 = tpu.memref_slice %arg3[%mul3A_2] : memref<8192xi32, #tpu.memory_space<hbm>> -> memref<256xi32, #tpu.memory_space<hbm>>
      tpu.wait_dma2 semaphore(%run_scoped3A : memref<!tpu.dma_semaphore, #tpu.memory_space<semaphore_mem>>) src(%dma_wait3A_100 : memref<256xi32, #tpu.memory_space<hbm>>) dst(%arg10 : memref<256xi32, #tpu.memory_space<vmem>>)
      tpu.yield
    }) : () -> ()
    "tpu.region"() ({
      %run_scoped3A = tpu.sem_alloc : memref<!tpu.dma_semaphore, #tpu.memory_space<semaphore_mem>>
      %dma_start3A_97 = tpu.memref_slice %arg4[%mul3A_2] : memref<8192xi32, #tpu.memory_space<hbm>> -> memref<256xi32, #tpu.memory_space<hbm>>
      %dma_start3A_98 = tpu.memref_slice %arg4[%mul3A_2] : memref<8192xi32, #tpu.memory_space<hbm>> -> memref<256xi32, #tpu.memory_space<hbm>>
      tpu.enqueue_dma source(%dma_start3A_98 : memref<256xi32, #tpu.memory_space<hbm>>) target(%arg11 : memref<256xi32, #tpu.memory_space<vmem>>) target_semaphore(%run_scoped3A : memref<!tpu.dma_semaphore, #tpu.memory_space<semaphore_mem>>)
      %dma_wait3A_99 = tpu.memref_slice %arg4[%mul3A_2] : memref<8192xi32, #tpu.memory_space<hbm>> -> memref<256xi32, #tpu.memory_space<hbm>>
      %dma_wait3A_100 = tpu.memref_slice %arg4[%mul3A_2] : memref<8192xi32, #tpu.memory_space<hbm>> -> memref<256xi32, #tpu.memory_space<hbm>>
      tpu.wait_dma2 semaphore(%run_scoped3A : memref<!tpu.dma_semaphore, #tpu.memory_space<semaphore_mem>>) src(%dma_wait3A_100 : memref<256xi32, #tpu.memory_space<hbm>>) dst(%arg11 : memref<256xi32, #tpu.memory_space<vmem>>)
      tpu.yield
    }) : () -> ()
    %dma_start3A = arith.constant 0 : i32
    %dma_start3A_3 = arith.constant 0 : i32
    %dma_start3A_4 = tpu.memref_slice %arg12[%dma_start3A, %dma_start3A_3] : memref<256x64xf32, #tpu.memory_space<vmem>> -> memref<128x64xf32, #tpu.memory_space<vmem>>
    %dma_start3A_5 = arith.constant 0 : i32
    %dma_start3A_6 = tpu.memref_slice %arg9[%dma_start3A_5] : memref<256xi32, #tpu.memory_space<vmem>> -> memref<128xi32, #tpu.memory_space<vmem>>
    %dma_start3A_7 = arith.constant 0 : i32
    %dma_start3A_8 = arith.constant 0 : i32
    %dma_start3A_9 = tpu.memref_slice %arg5[%dma_start3A_7, %dma_start3A_8] : memref<100000x64xf32, #tpu.memory_space<hbm>> -> memref<100000x64xf32, #tpu.memory_space<hbm>>
    tpu.enqueue_indirect_dma source(%dma_start3A_9 : memref<100000x64xf32, #tpu.memory_space<hbm>>) target(%dma_start3A_4 : memref<128x64xf32, #tpu.memory_space<vmem>>) offsets(%dma_start3A_6 : memref<128xi32, #tpu.memory_space<vmem>>) semaphore(%arg15 : memref<!tpu.dma_semaphore, #tpu.memory_space<semaphore_mem>>)
    %dma_start3A_10 = arith.constant 0 : i32
    %dma_start3A_11 = arith.constant 0 : i32
    %dma_start3A_12 = tpu.memref_slice %arg13[%dma_start3A_10, %dma_start3A_11] : memref<256x64xf32, #tpu.memory_space<vmem>> -> memref<128x64xf32, #tpu.memory_space<vmem>>
    %dma_start3A_13 = arith.constant 0 : i32
    %dma_start3A_14 = tpu.memref_slice %arg10[%dma_start3A_13] : memref<256xi32, #tpu.memory_space<vmem>> -> memref<128xi32, #tpu.memory_space<vmem>>
    %dma_start3A_15 = arith.constant 0 : i32
    %dma_start3A_16 = arith.constant 0 : i32
    %dma_start3A_17 = tpu.memref_slice %arg5[%dma_start3A_15, %dma_start3A_16] : memref<100000x64xf32, #tpu.memory_space<hbm>> -> memref<100000x64xf32, #tpu.memory_space<hbm>>
    tpu.enqueue_indirect_dma source(%dma_start3A_17 : memref<100000x64xf32, #tpu.memory_space<hbm>>) target(%dma_start3A_12 : memref<128x64xf32, #tpu.memory_space<vmem>>) offsets(%dma_start3A_14 : memref<128xi32, #tpu.memory_space<vmem>>) semaphore(%arg15 : memref<!tpu.dma_semaphore, #tpu.memory_space<semaphore_mem>>)
    %dma_start3A_18 = arith.constant 0 : i32
    %dma_start3A_19 = arith.constant 0 : i32
    %dma_start3A_20 = tpu.memref_slice %arg14[%dma_start3A_18, %dma_start3A_19] : memref<256x32xf32, #tpu.memory_space<vmem>> -> memref<128x32xf32, #tpu.memory_space<vmem>>
    %dma_start3A_21 = arith.constant 0 : i32
    %dma_start3A_22 = tpu.memref_slice %arg11[%dma_start3A_21] : memref<256xi32, #tpu.memory_space<vmem>> -> memref<128xi32, #tpu.memory_space<vmem>>
    %dma_start3A_23 = arith.constant 0 : i32
    %dma_start3A_24 = arith.constant 0 : i32
    %dma_start3A_25 = tpu.memref_slice %arg6[%dma_start3A_23, %dma_start3A_24] : memref<1000x32xf32, #tpu.memory_space<hbm>> -> memref<1000x32xf32, #tpu.memory_space<hbm>>
    tpu.enqueue_indirect_dma source(%dma_start3A_25 : memref<1000x32xf32, #tpu.memory_space<hbm>>) target(%dma_start3A_20 : memref<128x32xf32, #tpu.memory_space<vmem>>) offsets(%dma_start3A_22 : memref<128xi32, #tpu.memory_space<vmem>>) semaphore(%arg15 : memref<!tpu.dma_semaphore, #tpu.memory_space<semaphore_mem>>)
    %dma_start3A_26 = arith.constant 128 : i32
    %dma_start3A_27 = arith.constant 0 : i32
    %dma_start3A_28 = tpu.memref_slice %arg12[%dma_start3A_26, %dma_start3A_27] : memref<256x64xf32, #tpu.memory_space<vmem>> -> memref<128x64xf32, #tpu.memory_space<vmem>>
    %dma_start3A_29 = arith.constant 128 : i32
    %dma_start3A_30 = tpu.memref_slice %arg9[%dma_start3A_29] : memref<256xi32, #tpu.memory_space<vmem>> -> memref<128xi32, #tpu.memory_space<vmem>>
    %dma_start3A_31 = arith.constant 0 : i32
    %dma_start3A_32 = arith.constant 0 : i32
    %dma_start3A_33 = tpu.memref_slice %arg5[%dma_start3A_31, %dma_start3A_32] : memref<100000x64xf32, #tpu.memory_space<hbm>> -> memref<100000x64xf32, #tpu.memory_space<hbm>>
    tpu.enqueue_indirect_dma source(%dma_start3A_33 : memref<100000x64xf32, #tpu.memory_space<hbm>>) target(%dma_start3A_28 : memref<128x64xf32, #tpu.memory_space<vmem>>) offsets(%dma_start3A_30 : memref<128xi32, #tpu.memory_space<vmem>>) semaphore(%arg15 : memref<!tpu.dma_semaphore, #tpu.memory_space<semaphore_mem>>)
    %dma_start3A_34 = arith.constant 128 : i32
    %dma_start3A_35 = arith.constant 0 : i32
    %dma_start3A_36 = tpu.memref_slice %arg13[%dma_start3A_34, %dma_start3A_35] : memref<256x64xf32, #tpu.memory_space<vmem>> -> memref<128x64xf32, #tpu.memory_space<vmem>>
    %dma_start3A_37 = arith.constant 128 : i32
    %dma_start3A_38 = tpu.memref_slice %arg10[%dma_start3A_37] : memref<256xi32, #tpu.memory_space<vmem>> -> memref<128xi32, #tpu.memory_space<vmem>>
    %dma_start3A_39 = arith.constant 0 : i32
    %dma_start3A_40 = arith.constant 0 : i32
    %dma_start3A_41 = tpu.memref_slice %arg5[%dma_start3A_39, %dma_start3A_40] : memref<100000x64xf32, #tpu.memory_space<hbm>> -> memref<100000x64xf32, #tpu.memory_space<hbm>>
    tpu.enqueue_indirect_dma source(%dma_start3A_41 : memref<100000x64xf32, #tpu.memory_space<hbm>>) target(%dma_start3A_36 : memref<128x64xf32, #tpu.memory_space<vmem>>) offsets(%dma_start3A_38 : memref<128xi32, #tpu.memory_space<vmem>>) semaphore(%arg15 : memref<!tpu.dma_semaphore, #tpu.memory_space<semaphore_mem>>)
    %dma_start3A_42 = arith.constant 128 : i32
    %dma_start3A_43 = arith.constant 0 : i32
    %dma_start3A_44 = tpu.memref_slice %arg14[%dma_start3A_42, %dma_start3A_43] : memref<256x32xf32, #tpu.memory_space<vmem>> -> memref<128x32xf32, #tpu.memory_space<vmem>>
    %dma_start3A_45 = arith.constant 128 : i32
    %dma_start3A_46 = tpu.memref_slice %arg11[%dma_start3A_45] : memref<256xi32, #tpu.memory_space<vmem>> -> memref<128xi32, #tpu.memory_space<vmem>>
    %dma_start3A_47 = arith.constant 0 : i32
    %dma_start3A_48 = arith.constant 0 : i32
    %dma_start3A_49 = tpu.memref_slice %arg6[%dma_start3A_47, %dma_start3A_48] : memref<1000x32xf32, #tpu.memory_space<hbm>> -> memref<1000x32xf32, #tpu.memory_space<hbm>>
    tpu.enqueue_indirect_dma source(%dma_start3A_49 : memref<1000x32xf32, #tpu.memory_space<hbm>>) target(%dma_start3A_44 : memref<128x32xf32, #tpu.memory_space<vmem>>) offsets(%dma_start3A_46 : memref<128xi32, #tpu.memory_space<vmem>>) semaphore(%arg15 : memref<!tpu.dma_semaphore, #tpu.memory_space<semaphore_mem>>)
    %dma_wait3A = arith.constant 0 : i32
    %dma_wait3A_50 = arith.constant 0 : i32
    %dma_wait3A_51 = tpu.memref_slice %arg12[%dma_wait3A, %dma_wait3A_50] : memref<256x64xf32, #tpu.memory_space<vmem>> -> memref<128x64xf32, #tpu.memory_space<vmem>>
    %dma_wait3A_52 = arith.constant 0 : i32
    %dma_wait3A_53 = tpu.memref_slice %arg9[%dma_wait3A_52] : memref<256xi32, #tpu.memory_space<vmem>> -> memref<128xi32, #tpu.memory_space<vmem>>
    %dma_wait3A_54 = arith.constant 0 : i32
    %dma_wait3A_55 = arith.constant 0 : i32
    %dma_wait3A_56 = tpu.memref_slice %arg5[%dma_wait3A_54, %dma_wait3A_55] : memref<100000x64xf32, #tpu.memory_space<hbm>> -> memref<100000x64xf32, #tpu.memory_space<hbm>>
    tpu.wait_indirect_dma semaphore(%arg15 : memref<!tpu.dma_semaphore, #tpu.memory_space<semaphore_mem>>) src(%dma_wait3A_56 : memref<100000x64xf32, #tpu.memory_space<hbm>>) dst(%dma_wait3A_51 : memref<128x64xf32, #tpu.memory_space<vmem>>)
    %dma_wait3A_57 = arith.constant 0 : i32
    %dma_wait3A_58 = arith.constant 0 : i32
    %dma_wait3A_59 = tpu.memref_slice %arg13[%dma_wait3A_57, %dma_wait3A_58] : memref<256x64xf32, #tpu.memory_space<vmem>> -> memref<128x64xf32, #tpu.memory_space<vmem>>
    %dma_wait3A_60 = arith.constant 0 : i32
    %dma_wait3A_61 = tpu.memref_slice %arg10[%dma_wait3A_60] : memref<256xi32, #tpu.memory_space<vmem>> -> memref<128xi32, #tpu.memory_space<vmem>>
    %dma_wait3A_62 = arith.constant 0 : i32
    %dma_wait3A_63 = arith.constant 0 : i32
    %dma_wait3A_64 = tpu.memref_slice %arg5[%dma_wait3A_62, %dma_wait3A_63] : memref<100000x64xf32, #tpu.memory_space<hbm>> -> memref<100000x64xf32, #tpu.memory_space<hbm>>
    tpu.wait_indirect_dma semaphore(%arg15 : memref<!tpu.dma_semaphore, #tpu.memory_space<semaphore_mem>>) src(%dma_wait3A_64 : memref<100000x64xf32, #tpu.memory_space<hbm>>) dst(%dma_wait3A_59 : memref<128x64xf32, #tpu.memory_space<vmem>>)
    %dma_wait3A_65 = arith.constant 0 : i32
    %dma_wait3A_66 = arith.constant 0 : i32
    %dma_wait3A_67 = tpu.memref_slice %arg14[%dma_wait3A_65, %dma_wait3A_66] : memref<256x32xf32, #tpu.memory_space<vmem>> -> memref<128x32xf32, #tpu.memory_space<vmem>>
    %dma_wait3A_68 = arith.constant 0 : i32
    %dma_wait3A_69 = tpu.memref_slice %arg11[%dma_wait3A_68] : memref<256xi32, #tpu.memory_space<vmem>> -> memref<128xi32, #tpu.memory_space<vmem>>
    %dma_wait3A_70 = arith.constant 0 : i32
    %dma_wait3A_71 = arith.constant 0 : i32
    %dma_wait3A_72 = tpu.memref_slice %arg6[%dma_wait3A_70, %dma_wait3A_71] : memref<1000x32xf32, #tpu.memory_space<hbm>> -> memref<1000x32xf32, #tpu.memory_space<hbm>>
    tpu.wait_indirect_dma semaphore(%arg15 : memref<!tpu.dma_semaphore, #tpu.memory_space<semaphore_mem>>) src(%dma_wait3A_72 : memref<1000x32xf32, #tpu.memory_space<hbm>>) dst(%dma_wait3A_67 : memref<128x32xf32, #tpu.memory_space<vmem>>)
    %dma_wait3A_73 = arith.constant 128 : i32
    %dma_wait3A_74 = arith.constant 0 : i32
    %dma_wait3A_75 = tpu.memref_slice %arg12[%dma_wait3A_73, %dma_wait3A_74] : memref<256x64xf32, #tpu.memory_space<vmem>> -> memref<128x64xf32, #tpu.memory_space<vmem>>
    %dma_wait3A_76 = arith.constant 128 : i32
    %dma_wait3A_77 = tpu.memref_slice %arg9[%dma_wait3A_76] : memref<256xi32, #tpu.memory_space<vmem>> -> memref<128xi32, #tpu.memory_space<vmem>>
    %dma_wait3A_78 = arith.constant 0 : i32
    %dma_wait3A_79 = arith.constant 0 : i32
    %dma_wait3A_80 = tpu.memref_slice %arg5[%dma_wait3A_78, %dma_wait3A_79] : memref<100000x64xf32, #tpu.memory_space<hbm>> -> memref<100000x64xf32, #tpu.memory_space<hbm>>
    tpu.wait_indirect_dma semaphore(%arg15 : memref<!tpu.dma_semaphore, #tpu.memory_space<semaphore_mem>>) src(%dma_wait3A_80 : memref<100000x64xf32, #tpu.memory_space<hbm>>) dst(%dma_wait3A_75 : memref<128x64xf32, #tpu.memory_space<vmem>>)
    %dma_wait3A_81 = arith.constant 128 : i32
    %dma_wait3A_82 = arith.constant 0 : i32
    %dma_wait3A_83 = tpu.memref_slice %arg13[%dma_wait3A_81, %dma_wait3A_82] : memref<256x64xf32, #tpu.memory_space<vmem>> -> memref<128x64xf32, #tpu.memory_space<vmem>>
    %dma_wait3A_84 = arith.constant 128 : i32
    %dma_wait3A_85 = tpu.memref_slice %arg10[%dma_wait3A_84] : memref<256xi32, #tpu.memory_space<vmem>> -> memref<128xi32, #tpu.memory_space<vmem>>
    %dma_wait3A_86 = arith.constant 0 : i32
    %dma_wait3A_87 = arith.constant 0 : i32
    %dma_wait3A_88 = tpu.memref_slice %arg5[%dma_wait3A_86, %dma_wait3A_87] : memref<100000x64xf32, #tpu.memory_space<hbm>> -> memref<100000x64xf32, #tpu.memory_space<hbm>>
    tpu.wait_indirect_dma semaphore(%arg15 : memref<!tpu.dma_semaphore, #tpu.memory_space<semaphore_mem>>) src(%dma_wait3A_88 : memref<100000x64xf32, #tpu.memory_space<hbm>>) dst(%dma_wait3A_83 : memref<128x64xf32, #tpu.memory_space<vmem>>)
    %dma_wait3A_89 = arith.constant 128 : i32
    %dma_wait3A_90 = arith.constant 0 : i32
    %dma_wait3A_91 = tpu.memref_slice %arg14[%dma_wait3A_89, %dma_wait3A_90] : memref<256x32xf32, #tpu.memory_space<vmem>> -> memref<128x32xf32, #tpu.memory_space<vmem>>
    %dma_wait3A_92 = arith.constant 128 : i32
    %dma_wait3A_93 = tpu.memref_slice %arg11[%dma_wait3A_92] : memref<256xi32, #tpu.memory_space<vmem>> -> memref<128xi32, #tpu.memory_space<vmem>>
    %dma_wait3A_94 = arith.constant 0 : i32
    %dma_wait3A_95 = arith.constant 0 : i32
    %dma_wait3A_96 = tpu.memref_slice %arg6[%dma_wait3A_94, %dma_wait3A_95] : memref<1000x32xf32, #tpu.memory_space<hbm>> -> memref<1000x32xf32, #tpu.memory_space<hbm>>
    tpu.wait_indirect_dma semaphore(%arg15 : memref<!tpu.dma_semaphore, #tpu.memory_space<semaphore_mem>>) src(%dma_wait3A_96 : memref<1000x32xf32, #tpu.memory_space<hbm>>) dst(%dma_wait3A_91 : memref<128x32xf32, #tpu.memory_space<vmem>>)
    "tpu.region"() ({
      %run_scoped3A = tpu.sem_alloc : memref<!tpu.dma_semaphore, #tpu.memory_space<semaphore_mem>>
      %dma_start3A_97 = arith.constant 0 : i32
      %dma_start3A_98 = arith.constant 0 : i32
      %dma_start3A_99 = tpu.memref_slice %arg7[%add3A, %dma_start3A_97, %dma_start3A_98] : memref<32x256x128xf32, #tpu.memory_space<hbm>> -> memref<1x256x64xf32, #tpu.memory_space<hbm>>
      %dma_start3A_100 = tpu.memref_squeeze %dma_start3A_99 : memref<1x256x64xf32, #tpu.memory_space<hbm>> -> memref<256x64xf32, #tpu.memory_space<hbm>>
      %dma_start3A_101 = arith.constant 0 : i32
      %dma_start3A_102 = arith.constant 0 : i32
      %dma_start3A_103 = tpu.memref_slice %arg7[%add3A, %dma_start3A_101, %dma_start3A_102] : memref<32x256x128xf32, #tpu.memory_space<hbm>> -> memref<1x256x64xf32, #tpu.memory_space<hbm>>
      %dma_start3A_104 = tpu.memref_squeeze %dma_start3A_103 : memref<1x256x64xf32, #tpu.memory_space<hbm>> -> memref<256x64xf32, #tpu.memory_space<hbm>>
      tpu.enqueue_dma source(%arg12 : memref<256x64xf32, #tpu.memory_space<vmem>>) target(%dma_start3A_104 : memref<256x64xf32, #tpu.memory_space<hbm>>) target_semaphore(%run_scoped3A : memref<!tpu.dma_semaphore, #tpu.memory_space<semaphore_mem>>)
      %dma_wait3A_105 = arith.constant 0 : i32
      %dma_wait3A_106 = arith.constant 0 : i32
      %dma_wait3A_107 = tpu.memref_slice %arg7[%add3A, %dma_wait3A_105, %dma_wait3A_106] : memref<32x256x128xf32, #tpu.memory_space<hbm>> -> memref<1x256x64xf32, #tpu.memory_space<hbm>>
      %dma_wait3A_108 = tpu.memref_squeeze %dma_wait3A_107 : memref<1x256x64xf32, #tpu.memory_space<hbm>> -> memref<256x64xf32, #tpu.memory_space<hbm>>
      %dma_wait3A_109 = arith.constant 0 : i32
      %dma_wait3A_110 = arith.constant 0 : i32
      %dma_wait3A_111 = tpu.memref_slice %arg7[%add3A, %dma_wait3A_109, %dma_wait3A_110] : memref<32x256x128xf32, #tpu.memory_space<hbm>> -> memref<1x256x64xf32, #tpu.memory_space<hbm>>
      %dma_wait3A_112 = tpu.memref_squeeze %dma_wait3A_111 : memref<1x256x64xf32, #tpu.memory_space<hbm>> -> memref<256x64xf32, #tpu.memory_space<hbm>>
      tpu.wait_dma2 semaphore(%run_scoped3A : memref<!tpu.dma_semaphore, #tpu.memory_space<semaphore_mem>>) src(%arg12 : memref<256x64xf32, #tpu.memory_space<vmem>>) dst(%dma_wait3A_112 : memref<256x64xf32, #tpu.memory_space<hbm>>)
      tpu.yield
    }) : () -> ()
    "tpu.region"() ({
      %run_scoped3A = tpu.sem_alloc : memref<!tpu.dma_semaphore, #tpu.memory_space<semaphore_mem>>
      %dma_start3A_97 = arith.constant 0 : i32
      %dma_start3A_98 = arith.constant 64 : i32
      %dma_start3A_99 = tpu.memref_slice %arg7[%add3A, %dma_start3A_97, %dma_start3A_98] : memref<32x256x128xf32, #tpu.memory_space<hbm>> -> memref<1x256x64xf32, #tpu.memory_space<hbm>>
      %dma_start3A_100 = tpu.memref_squeeze %dma_start3A_99 : memref<1x256x64xf32, #tpu.memory_space<hbm>> -> memref<256x64xf32, #tpu.memory_space<hbm>>
      %dma_start3A_101 = arith.constant 0 : i32
      %dma_start3A_102 = arith.constant 64 : i32
      %dma_start3A_103 = tpu.memref_slice %arg7[%add3A, %dma_start3A_101, %dma_start3A_102] : memref<32x256x128xf32, #tpu.memory_space<hbm>> -> memref<1x256x64xf32, #tpu.memory_space<hbm>>
      %dma_start3A_104 = tpu.memref_squeeze %dma_start3A_103 : memref<1x256x64xf32, #tpu.memory_space<hbm>> -> memref<256x64xf32, #tpu.memory_space<hbm>>
      tpu.enqueue_dma source(%arg13 : memref<256x64xf32, #tpu.memory_space<vmem>>) target(%dma_start3A_104 : memref<256x64xf32, #tpu.memory_space<hbm>>) target_semaphore(%run_scoped3A : memref<!tpu.dma_semaphore, #tpu.memory_space<semaphore_mem>>)
      %dma_wait3A_105 = arith.constant 0 : i32
      %dma_wait3A_106 = arith.constant 64 : i32
      %dma_wait3A_107 = tpu.memref_slice %arg7[%add3A, %dma_wait3A_105, %dma_wait3A_106] : memref<32x256x128xf32, #tpu.memory_space<hbm>> -> memref<1x256x64xf32, #tpu.memory_space<hbm>>
      %dma_wait3A_108 = tpu.memref_squeeze %dma_wait3A_107 : memref<1x256x64xf32, #tpu.memory_space<hbm>> -> memref<256x64xf32, #tpu.memory_space<hbm>>
      %dma_wait3A_109 = arith.constant 0 : i32
      %dma_wait3A_110 = arith.constant 64 : i32
      %dma_wait3A_111 = tpu.memref_slice %arg7[%add3A, %dma_wait3A_109, %dma_wait3A_110] : memref<32x256x128xf32, #tpu.memory_space<hbm>> -> memref<1x256x64xf32, #tpu.memory_space<hbm>>
      %dma_wait3A_112 = tpu.memref_squeeze %dma_wait3A_111 : memref<1x256x64xf32, #tpu.memory_space<hbm>> -> memref<256x64xf32, #tpu.memory_space<hbm>>
      tpu.wait_dma2 semaphore(%run_scoped3A : memref<!tpu.dma_semaphore, #tpu.memory_space<semaphore_mem>>) src(%arg13 : memref<256x64xf32, #tpu.memory_space<vmem>>) dst(%dma_wait3A_112 : memref<256x64xf32, #tpu.memory_space<hbm>>)
      tpu.yield
    }) : () -> ()
    "tpu.region"() ({
      %run_scoped3A = tpu.sem_alloc : memref<!tpu.dma_semaphore, #tpu.memory_space<semaphore_mem>>
      %dma_start3A_97 = arith.constant 0 : i32
      %dma_start3A_98 = arith.constant 0 : i32
      %dma_start3A_99 = tpu.memref_slice %arg8[%add3A, %dma_start3A_97, %dma_start3A_98] : memref<32x256x128xf32, #tpu.memory_space<hbm>> -> memref<1x256x32xf32, #tpu.memory_space<hbm>>
      %dma_start3A_100 = tpu.memref_squeeze %dma_start3A_99 : memref<1x256x32xf32, #tpu.memory_space<hbm>> -> memref<256x32xf32, #tpu.memory_space<hbm>>
      %dma_start3A_101 = arith.constant 0 : i32
      %dma_start3A_102 = arith.constant 0 : i32
      %dma_start3A_103 = tpu.memref_slice %arg8[%add3A, %dma_start3A_101, %dma_start3A_102] : memref<32x256x128xf32, #tpu.memory_space<hbm>> -> memref<1x256x32xf32, #tpu.memory_space<hbm>>
      %dma_start3A_104 = tpu.memref_squeeze %dma_start3A_103 : memref<1x256x32xf32, #tpu.memory_space<hbm>> -> memref<256x32xf32, #tpu.memory_space<hbm>>
      tpu.enqueue_dma source(%arg14 : memref<256x32xf32, #tpu.memory_space<vmem>>) target(%dma_start3A_104 : memref<256x32xf32, #tpu.memory_space<hbm>>) target_semaphore(%run_scoped3A : memref<!tpu.dma_semaphore, #tpu.memory_space<semaphore_mem>>)
      %dma_wait3A_105 = arith.constant 0 : i32
      %dma_wait3A_106 = arith.constant 0 : i32
      %dma_wait3A_107 = tpu.memref_slice %arg8[%add3A, %dma_wait3A_105, %dma_wait3A_106] : memref<32x256x128xf32, #tpu.memory_space<hbm>> -> memref<1x256x32xf32, #tpu.memory_space<hbm>>
      %dma_wait3A_108 = tpu.memref_squeeze %dma_wait3A_107 : memref<1x256x32xf32, #tpu.memory_space<hbm>> -> memref<256x32xf32, #tpu.memory_space<hbm>>
      %dma_wait3A_109 = arith.constant 0 : i32
      %dma_wait3A_110 = arith.constant 0 : i32
      %dma_wait3A_111 = tpu.memref_slice %arg8[%add3A, %dma_wait3A_109, %dma_wait3A_110] : memref<32x256x128xf32, #tpu.memory_space<hbm>> -> memref<1x256x32xf32, #tpu.memory_space<hbm>>
      %dma_wait3A_112 = tpu.memref_squeeze %dma_wait3A_111 : memref<1x256x32xf32, #tpu.memory_space<hbm>> -> memref<256x32xf32, #tpu.memory_space<hbm>>
      tpu.wait_dma2 semaphore(%run_scoped3A : memref<!tpu.dma_semaphore, #tpu.memory_space<semaphore_mem>>) src(%arg14 : memref<256x32xf32, #tpu.memory_space<vmem>>) dst(%dma_wait3A_112 : memref<256x32xf32, #tpu.memory_space<hbm>>)
      tpu.yield
    }) : () -> ()
    return
  }
}

#map = affine_map<(d0, d1) -> (0)>
#map1 = affine_map<(d0, d1) -> (0, 0)>
#map2 = affine_map<(d0, d1) -> (0, 0, 0)>
module attributes {stable_mosaic.version = 14 : i64} {
  func.func @_gather_body(%arg0: i32, %arg1: i32, %arg2: memref<8192xi32, #tpu.memory_space<hbm>>, %arg3: memref<8192xi32, #tpu.memory_space<hbm>>, %arg4: memref<8192xi32, #tpu.memory_space<hbm>>, %arg5: memref<100000x64xf32, #tpu.memory_space<hbm>>, %arg6: memref<1000x32xf32, #tpu.memory_space<hbm>>, %arg7: memref<32x256x128xf32, #tpu.memory_space<hbm>>, %arg8: memref<32x256x128xf32, #tpu.memory_space<hbm>>, %arg9: memref<256xi32, #tpu.memory_space<vmem>>, %arg10: memref<256xi32, #tpu.memory_space<vmem>>, %arg11: memref<256xi32, #tpu.memory_space<vmem>>, %arg12: memref<256x64xf32, #tpu.memory_space<vmem>>, %arg13: memref<256x64xf32, #tpu.memory_space<vmem>>, %arg14: memref<256x32xf32, #tpu.memory_space<vmem>>, %arg15: memref<!tpu.dma_semaphore, #tpu.memory_space<semaphore_mem>>) attributes {dimension_semantics = [#tpu.dimension_semantics<core_parallel>, #tpu.dimension_semantics<subcore_parallel>], iteration_bounds = array<i64: 2, 16>, scalar_prefetch = 0 : i64, scratch_operands = 7 : i64, tpu.core_type = #tpu.core_type<sc_vector_subcore>, window_params = [{transform_indices = #map}, {transform_indices = #map}, {transform_indices = #map}, {transform_indices = #map1}, {transform_indices = #map1}, {transform_indices = #map2}, {transform_indices = #map2}]} {
    %mul3A = arith.constant 2 : i32
    %mul3A_0 = arith.muli %arg1, %mul3A : i32
    %add3A = arith.addi %mul3A_0, %arg0 : i32
    %mul3A_1 = arith.constant 256 : i32
    %mul3A_2 = arith.muli %add3A, %mul3A_1 : i32
    "tpu.region"() ({
      %run_scoped3A = tpu.sem_alloc : memref<!tpu.dma_semaphore, #tpu.memory_space<semaphore_mem>>
      %dma_start3A_97 = tpu.memref_slice %arg2[%mul3A_2] : memref<8192xi32, #tpu.memory_space<hbm>> -> memref<256xi32, #tpu.memory_space<hbm>>
      %dma_start3A_98 = tpu.memref_slice %arg2[%mul3A_2] : memref<8192xi32, #tpu.memory_space<hbm>> -> memref<256xi32, #tpu.memory_space<hbm>>
      tpu.enqueue_dma source(%dma_start3A_98 : memref<256xi32, #tpu.memory_space<hbm>>) target(%arg9 : memref<256xi32, #tpu.memory_space<vmem>>) target_semaphore(%run_scoped3A : memref<!tpu.dma_semaphore, #tpu.memory_space<semaphore_mem>>)
      %dma_wait3A_99 = tpu.memref_slice %arg2[%mul3A_2] : memref<8192xi32, #tpu.memory_space<hbm>> -> memref<256xi32, #tpu.memory_space<hbm>>
      %dma_wait3A_100 = tpu.memref_slice %arg2[%mul3A_2] : memref<8192xi32, #tpu.memory_space<hbm>> -> memref<256xi32, #tpu.memory_space<hbm>>
      tpu.wait_dma2 semaphore(%run_scoped3A : memref<!tpu.dma_semaphore, #tpu.memory_space<semaphore_mem>>) src(%dma_wait3A_100 : memref<256xi32, #tpu.memory_space<hbm>>) dst(%arg9 : memref<256xi32, #tpu.memory_space<vmem>>)
      tpu.yield
    }) : () -> ()
    "tpu.region"() ({
      %run_scoped3A = tpu.sem_alloc : memref<!tpu.dma_semaphore, #tpu.memory_space<semaphore_mem>>
      %dma_start3A_97 = tpu.memref_slice %arg3[%mul3A_2] : memref<8192xi32, #tpu.memory_space<hbm>> -> memref<256xi32, #tpu.memory_space<hbm>>
      %dma_start3A_98 = tpu.memref_slice %arg3[%mul3A_2] : memref<8192xi32, #tpu.memory_space<hbm>> -> memref<256xi32, #tpu.memory_space<hbm>>
      tpu.enqueue_dma source(%dma_start3A_98 : memref<256xi32, #tpu.memory_space<hbm>>) target(%arg10 : memref<256xi32, #tpu.memory_space<vmem>>) target_semaphore(%run_scoped3A : memref<!tpu.dma_semaphore, #tpu.memory_space<semaphore_mem>>)
      %dma_wait3A_99 = tpu.memref_slice %arg3[%mul3A_2] : memref<8192xi32, #tpu.memory_space<hbm>> -> memref<256xi32, #tpu.memory_space<hbm>>
      %dma_wait3A_100 = tpu.memref_slice %arg3[%mul3A_2] : memref<8192xi32, #tpu.memory_space<hbm>> -> memref<256xi32, #tpu.memory_space<hbm>>
      tpu.wait_dma2 semaphore(%run_scoped3A : memref<!tpu.dma_semaphore, #tpu.memory_space<semaphore_mem>>) src(%dma_wait3A_100 : memref<256xi32, #tpu.memory_space<hbm>>) dst(%arg10 : memref<256xi32, #tpu.memory_space<vmem>>)
      tpu.yield
    }) : () -> ()
    "tpu.region"() ({
      %run_scoped3A = tpu.sem_alloc : memref<!tpu.dma_semaphore, #tpu.memory_space<semaphore_mem>>
      %dma_start3A_97 = tpu.memref_slice %arg4[%mul3A_2] : memref<8192xi32, #tpu.memory_space<hbm>> -> memref<256xi32, #tpu.memory_space<hbm>>
      %dma_start3A_98 = tpu.memref_slice %arg4[%mul3A_2] : memref<8192xi32, #tpu.memory_space<hbm>> -> memref<256xi32, #tpu.memory_space<hbm>>
      tpu.enqueue_dma source(%dma_start3A_98 : memref<256xi32, #tpu.memory_space<hbm>>) target(%arg11 : memref<256xi32, #tpu.memory_space<vmem>>) target_semaphore(%run_scoped3A : memref<!tpu.dma_semaphore, #tpu.memory_space<semaphore_mem>>)
      %dma_wait3A_99 = tpu.memref_slice %arg4[%mul3A_2] : memref<8192xi32, #tpu.memory_space<hbm>> -> memref<256xi32, #tpu.memory_space<hbm>>
      %dma_wait3A_100 = tpu.memref_slice %arg4[%mul3A_2] : memref<8192xi32, #tpu.memory_space<hbm>> -> memref<256xi32, #tpu.memory_space<hbm>>
      tpu.wait_dma2 semaphore(%run_scoped3A : memref<!tpu.dma_semaphore, #tpu.memory_space<semaphore_mem>>) src(%dma_wait3A_100 : memref<256xi32, #tpu.memory_space<hbm>>) dst(%arg11 : memref<256xi32, #tpu.memory_space<vmem>>)
      tpu.yield
    }) : () -> ()
    %dma_start3A = arith.constant 0 : i32
    %dma_start3A_3 = arith.constant 0 : i32
    %dma_start3A_4 = tpu.memref_slice %arg12[%dma_start3A, %dma_start3A_3] : memref<256x64xf32, #tpu.memory_space<vmem>> -> memref<128x64xf32, #tpu.memory_space<vmem>>
    %dma_start3A_5 = arith.constant 0 : i32
    %dma_start3A_6 = tpu.memref_slice %arg9[%dma_start3A_5] : memref<256xi32, #tpu.memory_space<vmem>> -> memref<128xi32, #tpu.memory_space<vmem>>
    %dma_start3A_7 = arith.constant 0 : i32
    %dma_start3A_8 = arith.constant 0 : i32
    %dma_start3A_9 = tpu.memref_slice %arg5[%dma_start3A_7, %dma_start3A_8] : memref<100000x64xf32, #tpu.memory_space<hbm>> -> memref<100000x64xf32, #tpu.memory_space<hbm>>
    tpu.enqueue_indirect_dma source(%dma_start3A_9 : memref<100000x64xf32, #tpu.memory_space<hbm>>) target(%dma_start3A_4 : memref<128x64xf32, #tpu.memory_space<vmem>>) offsets(%dma_start3A_6 : memref<128xi32, #tpu.memory_space<vmem>>) semaphore(%arg15 : memref<!tpu.dma_semaphore, #tpu.memory_space<semaphore_mem>>)
    %dma_start3A_10 = arith.constant 0 : i32
    %dma_start3A_11 = arith.constant 0 : i32
    %dma_start3A_12 = tpu.memref_slice %arg13[%dma_start3A_10, %dma_start3A_11] : memref<256x64xf32, #tpu.memory_space<vmem>> -> memref<128x64xf32, #tpu.memory_space<vmem>>
    %dma_start3A_13 = arith.constant 0 : i32
    %dma_start3A_14 = tpu.memref_slice %arg10[%dma_start3A_13] : memref<256xi32, #tpu.memory_space<vmem>> -> memref<128xi32, #tpu.memory_space<vmem>>
    %dma_start3A_15 = arith.constant 0 : i32
    %dma_start3A_16 = arith.constant 0 : i32
    %dma_start3A_17 = tpu.memref_slice %arg5[%dma_start3A_15, %dma_start3A_16] : memref<100000x64xf32, #tpu.memory_space<hbm>> -> memref<100000x64xf32, #tpu.memory_space<hbm>>
    tpu.enqueue_indirect_dma source(%dma_start3A_17 : memref<100000x64xf32, #tpu.memory_space<hbm>>) target(%dma_start3A_12 : memref<128x64xf32, #tpu.memory_space<vmem>>) offsets(%dma_start3A_14 : memref<128xi32, #tpu.memory_space<vmem>>) semaphore(%arg15 : memref<!tpu.dma_semaphore, #tpu.memory_space<semaphore_mem>>)
    %dma_start3A_18 = arith.constant 0 : i32
    %dma_start3A_19 = arith.constant 0 : i32
    %dma_start3A_20 = tpu.memref_slice %arg14[%dma_start3A_18, %dma_start3A_19] : memref<256x32xf32, #tpu.memory_space<vmem>> -> memref<128x32xf32, #tpu.memory_space<vmem>>
    %dma_start3A_21 = arith.constant 0 : i32
    %dma_start3A_22 = tpu.memref_slice %arg11[%dma_start3A_21] : memref<256xi32, #tpu.memory_space<vmem>> -> memref<128xi32, #tpu.memory_space<vmem>>
    %dma_start3A_23 = arith.constant 0 : i32
    %dma_start3A_24 = arith.constant 0 : i32
    %dma_start3A_25 = tpu.memref_slice %arg6[%dma_start3A_23, %dma_start3A_24] : memref<1000x32xf32, #tpu.memory_space<hbm>> -> memref<1000x32xf32, #tpu.memory_space<hbm>>
    tpu.enqueue_indirect_dma source(%dma_start3A_25 : memref<1000x32xf32, #tpu.memory_space<hbm>>) target(%dma_start3A_20 : memref<128x32xf32, #tpu.memory_space<vmem>>) offsets(%dma_start3A_22 : memref<128xi32, #tpu.memory_space<vmem>>) semaphore(%arg15 : memref<!tpu.dma_semaphore, #tpu.memory_space<semaphore_mem>>)
    %dma_start3A_26 = arith.constant 128 : i32
    %dma_start3A_27 = arith.constant 0 : i32
    %dma_start3A_28 = tpu.memref_slice %arg12[%dma_start3A_26, %dma_start3A_27] : memref<256x64xf32, #tpu.memory_space<vmem>> -> memref<128x64xf32, #tpu.memory_space<vmem>>
    %dma_start3A_29 = arith.constant 128 : i32
    %dma_start3A_30 = tpu.memref_slice %arg9[%dma_start3A_29] : memref<256xi32, #tpu.memory_space<vmem>> -> memref<128xi32, #tpu.memory_space<vmem>>
    %dma_start3A_31 = arith.constant 0 : i32
    %dma_start3A_32 = arith.constant 0 : i32
    %dma_start3A_33 = tpu.memref_slice %arg5[%dma_start3A_31, %dma_start3A_32] : memref<100000x64xf32, #tpu.memory_space<hbm>> -> memref<100000x64xf32, #tpu.memory_space<hbm>>
    tpu.enqueue_indirect_dma source(%dma_start3A_33 : memref<100000x64xf32, #tpu.memory_space<hbm>>) target(%dma_start3A_28 : memref<128x64xf32, #tpu.memory_space<vmem>>) offsets(%dma_start3A_30 : memref<128xi32, #tpu.memory_space<vmem>>) semaphore(%arg15 : memref<!tpu.dma_semaphore, #tpu.memory_space<semaphore_mem>>)
    %dma_start3A_34 = arith.constant 128 : i32
    %dma_start3A_35 = arith.constant 0 : i32
    %dma_start3A_36 = tpu.memref_slice %arg13[%dma_start3A_34, %dma_start3A_35] : memref<256x64xf32, #tpu.memory_space<vmem>> -> memref<128x64xf32, #tpu.memory_space<vmem>>
    %dma_start3A_37 = arith.constant 128 : i32
    %dma_start3A_38 = tpu.memref_slice %arg10[%dma_start3A_37] : memref<256xi32, #tpu.memory_space<vmem>> -> memref<128xi32, #tpu.memory_space<vmem>>
    %dma_start3A_39 = arith.constant 0 : i32
    %dma_start3A_40 = arith.constant 0 : i32
    %dma_start3A_41 = tpu.memref_slice %arg5[%dma_start3A_39, %dma_start3A_40] : memref<100000x64xf32, #tpu.memory_space<hbm>> -> memref<100000x64xf32, #tpu.memory_space<hbm>>
    tpu.enqueue_indirect_dma source(%dma_start3A_41 : memref<100000x64xf32, #tpu.memory_space<hbm>>) target(%dma_start3A_36 : memref<128x64xf32, #tpu.memory_space<vmem>>) offsets(%dma_start3A_38 : memref<128xi32, #tpu.memory_space<vmem>>) semaphore(%arg15 : memref<!tpu.dma_semaphore, #tpu.memory_space<semaphore_mem>>)
    %dma_start3A_42 = arith.constant 128 : i32
    %dma_start3A_43 = arith.constant 0 : i32
    %dma_start3A_44 = tpu.memref_slice %arg14[%dma_start3A_42, %dma_start3A_43] : memref<256x32xf32, #tpu.memory_space<vmem>> -> memref<128x32xf32, #tpu.memory_space<vmem>>
    %dma_start3A_45 = arith.constant 128 : i32
    %dma_start3A_46 = tpu.memref_slice %arg11[%dma_start3A_45] : memref<256xi32, #tpu.memory_space<vmem>> -> memref<128xi32, #tpu.memory_space<vmem>>
    %dma_start3A_47 = arith.constant 0 : i32
    %dma_start3A_48 = arith.constant 0 : i32
    %dma_start3A_49 = tpu.memref_slice %arg6[%dma_start3A_47, %dma_start3A_48] : memref<1000x32xf32, #tpu.memory_space<hbm>> -> memref<1000x32xf32, #tpu.memory_space<hbm>>
    tpu.enqueue_indirect_dma source(%dma_start3A_49 : memref<1000x32xf32, #tpu.memory_space<hbm>>) target(%dma_start3A_44 : memref<128x32xf32, #tpu.memory_space<vmem>>) offsets(%dma_start3A_46 : memref<128xi32, #tpu.memory_space<vmem>>) semaphore(%arg15 : memref<!tpu.dma_semaphore, #tpu.memory_space<semaphore_mem>>)
    %dma_wait3A = arith.constant 0 : i32
    %dma_wait3A_50 = arith.constant 0 : i32
    %dma_wait3A_51 = tpu.memref_slice %arg12[%dma_wait3A, %dma_wait3A_50] : memref<256x64xf32, #tpu.memory_space<vmem>> -> memref<128x64xf32, #tpu.memory_space<vmem>>
    %dma_wait3A_52 = arith.constant 0 : i32
    %dma_wait3A_53 = tpu.memref_slice %arg9[%dma_wait3A_52] : memref<256xi32, #tpu.memory_space<vmem>> -> memref<128xi32, #tpu.memory_space<vmem>>
    %dma_wait3A_54 = arith.constant 0 : i32
    %dma_wait3A_55 = arith.constant 0 : i32
    %dma_wait3A_56 = tpu.memref_slice %arg5[%dma_wait3A_54, %dma_wait3A_55] : memref<100000x64xf32, #tpu.memory_space<hbm>> -> memref<100000x64xf32, #tpu.memory_space<hbm>>
    tpu.wait_indirect_dma semaphore(%arg15 : memref<!tpu.dma_semaphore, #tpu.memory_space<semaphore_mem>>) src(%dma_wait3A_56 : memref<100000x64xf32, #tpu.memory_space<hbm>>) dst(%dma_wait3A_51 : memref<128x64xf32, #tpu.memory_space<vmem>>)
    %dma_wait3A_57 = arith.constant 0 : i32
    %dma_wait3A_58 = arith.constant 0 : i32
    %dma_wait3A_59 = tpu.memref_slice %arg13[%dma_wait3A_57, %dma_wait3A_58] : memref<256x64xf32, #tpu.memory_space<vmem>> -> memref<128x64xf32, #tpu.memory_space<vmem>>
    %dma_wait3A_60 = arith.constant 0 : i32
    %dma_wait3A_61 = tpu.memref_slice %arg10[%dma_wait3A_60] : memref<256xi32, #tpu.memory_space<vmem>> -> memref<128xi32, #tpu.memory_space<vmem>>
    %dma_wait3A_62 = arith.constant 0 : i32
    %dma_wait3A_63 = arith.constant 0 : i32
    %dma_wait3A_64 = tpu.memref_slice %arg5[%dma_wait3A_62, %dma_wait3A_63] : memref<100000x64xf32, #tpu.memory_space<hbm>> -> memref<100000x64xf32, #tpu.memory_space<hbm>>
    tpu.wait_indirect_dma semaphore(%arg15 : memref<!tpu.dma_semaphore, #tpu.memory_space<semaphore_mem>>) src(%dma_wait3A_64 : memref<100000x64xf32, #tpu.memory_space<hbm>>) dst(%dma_wait3A_59 : memref<128x64xf32, #tpu.memory_space<vmem>>)
    %dma_wait3A_65 = arith.constant 0 : i32
    %dma_wait3A_66 = arith.constant 0 : i32
    %dma_wait3A_67 = tpu.memref_slice %arg14[%dma_wait3A_65, %dma_wait3A_66] : memref<256x32xf32, #tpu.memory_space<vmem>> -> memref<128x32xf32, #tpu.memory_space<vmem>>
    %dma_wait3A_68 = arith.constant 0 : i32
    %dma_wait3A_69 = tpu.memref_slice %arg11[%dma_wait3A_68] : memref<256xi32, #tpu.memory_space<vmem>> -> memref<128xi32, #tpu.memory_space<vmem>>
    %dma_wait3A_70 = arith.constant 0 : i32
    %dma_wait3A_71 = arith.constant 0 : i32
    %dma_wait3A_72 = tpu.memref_slice %arg6[%dma_wait3A_70, %dma_wait3A_71] : memref<1000x32xf32, #tpu.memory_space<hbm>> -> memref<1000x32xf32, #tpu.memory_space<hbm>>
    tpu.wait_indirect_dma semaphore(%arg15 : memref<!tpu.dma_semaphore, #tpu.memory_space<semaphore_mem>>) src(%dma_wait3A_72 : memref<1000x32xf32, #tpu.memory_space<hbm>>) dst(%dma_wait3A_67 : memref<128x32xf32, #tpu.memory_space<vmem>>)
    %dma_wait3A_73 = arith.constant 128 : i32
    %dma_wait3A_74 = arith.constant 0 : i32
    %dma_wait3A_75 = tpu.memref_slice %arg12[%dma_wait3A_73, %dma_wait3A_74] : memref<256x64xf32, #tpu.memory_space<vmem>> -> memref<128x64xf32, #tpu.memory_space<vmem>>
    %dma_wait3A_76 = arith.constant 128 : i32
    %dma_wait3A_77 = tpu.memref_slice %arg9[%dma_wait3A_76] : memref<256xi32, #tpu.memory_space<vmem>> -> memref<128xi32, #tpu.memory_space<vmem>>
    %dma_wait3A_78 = arith.constant 0 : i32
    %dma_wait3A_79 = arith.constant 0 : i32
    %dma_wait3A_80 = tpu.memref_slice %arg5[%dma_wait3A_78, %dma_wait3A_79] : memref<100000x64xf32, #tpu.memory_space<hbm>> -> memref<100000x64xf32, #tpu.memory_space<hbm>>
    tpu.wait_indirect_dma semaphore(%arg15 : memref<!tpu.dma_semaphore, #tpu.memory_space<semaphore_mem>>) src(%dma_wait3A_80 : memref<100000x64xf32, #tpu.memory_space<hbm>>) dst(%dma_wait3A_75 : memref<128x64xf32, #tpu.memory_space<vmem>>)
    %dma_wait3A_81 = arith.constant 128 : i32
    %dma_wait3A_82 = arith.constant 0 : i32
    %dma_wait3A_83 = tpu.memref_slice %arg13[%dma_wait3A_81, %dma_wait3A_82] : memref<256x64xf32, #tpu.memory_space<vmem>> -> memref<128x64xf32, #tpu.memory_space<vmem>>
    %dma_wait3A_84 = arith.constant 128 : i32
    %dma_wait3A_85 = tpu.memref_slice %arg10[%dma_wait3A_84] : memref<256xi32, #tpu.memory_space<vmem>> -> memref<128xi32, #tpu.memory_space<vmem>>
    %dma_wait3A_86 = arith.constant 0 : i32
    %dma_wait3A_87 = arith.constant 0 : i32
    %dma_wait3A_88 = tpu.memref_slice %arg5[%dma_wait3A_86, %dma_wait3A_87] : memref<100000x64xf32, #tpu.memory_space<hbm>> -> memref<100000x64xf32, #tpu.memory_space<hbm>>
    tpu.wait_indirect_dma semaphore(%arg15 : memref<!tpu.dma_semaphore, #tpu.memory_space<semaphore_mem>>) src(%dma_wait3A_88 : memref<100000x64xf32, #tpu.memory_space<hbm>>) dst(%dma_wait3A_83 : memref<128x64xf32, #tpu.memory_space<vmem>>)
    %dma_wait3A_89 = arith.constant 128 : i32
    %dma_wait3A_90 = arith.constant 0 : i32
    %dma_wait3A_91 = tpu.memref_slice %arg14[%dma_wait3A_89, %dma_wait3A_90] : memref<256x32xf32, #tpu.memory_space<vmem>> -> memref<128x32xf32, #tpu.memory_space<vmem>>
    %dma_wait3A_92 = arith.constant 128 : i32
    %dma_wait3A_93 = tpu.memref_slice %arg11[%dma_wait3A_92] : memref<256xi32, #tpu.memory_space<vmem>> -> memref<128xi32, #tpu.memory_space<vmem>>
    %dma_wait3A_94 = arith.constant 0 : i32
    %dma_wait3A_95 = arith.constant 0 : i32
    %dma_wait3A_96 = tpu.memref_slice %arg6[%dma_wait3A_94, %dma_wait3A_95] : memref<1000x32xf32, #tpu.memory_space<hbm>> -> memref<1000x32xf32, #tpu.memory_space<hbm>>
    tpu.wait_indirect_dma semaphore(%arg15 : memref<!tpu.dma_semaphore, #tpu.memory_space<semaphore_mem>>) src(%dma_wait3A_96 : memref<1000x32xf32, #tpu.memory_space<hbm>>) dst(%dma_wait3A_91 : memref<128x32xf32, #tpu.memory_space<vmem>>)
    "tpu.region"() ({
      %run_scoped3A = tpu.sem_alloc : memref<!tpu.dma_semaphore, #tpu.memory_space<semaphore_mem>>
      %dma_start3A_97 = arith.constant 0 : i32
      %dma_start3A_98 = arith.constant 0 : i32
      %dma_start3A_99 = tpu.memref_slice %arg7[%add3A, %dma_start3A_97, %dma_start3A_98] : memref<32x256x128xf32, #tpu.memory_space<hbm>> -> memref<1x256x64xf32, #tpu.memory_space<hbm>>
      %dma_start3A_100 = tpu.memref_squeeze %dma_start3A_99 : memref<1x256x64xf32, #tpu.memory_space<hbm>> -> memref<256x64xf32, #tpu.memory_space<hbm>>
      %dma_start3A_101 = arith.constant 0 : i32
      %dma_start3A_102 = arith.constant 0 : i32
      %dma_start3A_103 = tpu.memref_slice %arg7[%add3A, %dma_start3A_101, %dma_start3A_102] : memref<32x256x128xf32, #tpu.memory_space<hbm>> -> memref<1x256x64xf32, #tpu.memory_space<hbm>>
      %dma_start3A_104 = tpu.memref_squeeze %dma_start3A_103 : memref<1x256x64xf32, #tpu.memory_space<hbm>> -> memref<256x64xf32, #tpu.memory_space<hbm>>
      tpu.enqueue_dma source(%arg12 : memref<256x64xf32, #tpu.memory_space<vmem>>) target(%dma_start3A_104 : memref<256x64xf32, #tpu.memory_space<hbm>>) target_semaphore(%run_scoped3A : memref<!tpu.dma_semaphore, #tpu.memory_space<semaphore_mem>>)
      %dma_wait3A_105 = arith.constant 0 : i32
      %dma_wait3A_106 = arith.constant 0 : i32
      %dma_wait3A_107 = tpu.memref_slice %arg7[%add3A, %dma_wait3A_105, %dma_wait3A_106] : memref<32x256x128xf32, #tpu.memory_space<hbm>> -> memref<1x256x64xf32, #tpu.memory_space<hbm>>
      %dma_wait3A_108 = tpu.memref_squeeze %dma_wait3A_107 : memref<1x256x64xf32, #tpu.memory_space<hbm>> -> memref<256x64xf32, #tpu.memory_space<hbm>>
      %dma_wait3A_109 = arith.constant 0 : i32
      %dma_wait3A_110 = arith.constant 0 : i32
      %dma_wait3A_111 = tpu.memref_slice %arg7[%add3A, %dma_wait3A_109, %dma_wait3A_110] : memref<32x256x128xf32, #tpu.memory_space<hbm>> -> memref<1x256x64xf32, #tpu.memory_space<hbm>>
      %dma_wait3A_112 = tpu.memref_squeeze %dma_wait3A_111 : memref<1x256x64xf32, #tpu.memory_space<hbm>> -> memref<256x64xf32, #tpu.memory_space<hbm>>
      tpu.wait_dma2 semaphore(%run_scoped3A : memref<!tpu.dma_semaphore, #tpu.memory_space<semaphore_mem>>) src(%arg12 : memref<256x64xf32, #tpu.memory_space<vmem>>) dst(%dma_wait3A_112 : memref<256x64xf32, #tpu.memory_space<hbm>>)
      tpu.yield
    }) : () -> ()
    "tpu.region"() ({
      %run_scoped3A = tpu.sem_alloc : memref<!tpu.dma_semaphore, #tpu.memory_space<semaphore_mem>>
      %dma_start3A_97 = arith.constant 0 : i32
      %dma_start3A_98 = arith.constant 64 : i32
      %dma_start3A_99 = tpu.memref_slice %arg7[%add3A, %dma_start3A_97, %dma_start3A_98] : memref<32x256x128xf32, #tpu.memory_space<hbm>> -> memref<1x256x64xf32, #tpu.memory_space<hbm>>
      %dma_start3A_100 = tpu.memref_squeeze %dma_start3A_99 : memref<1x256x64xf32, #tpu.memory_space<hbm>> -> memref<256x64xf32, #tpu.memory_space<hbm>>
      %dma_start3A_101 = arith.constant 0 : i32
      %dma_start3A_102 = arith.constant 64 : i32
      %dma_start3A_103 = tpu.memref_slice %arg7[%add3A, %dma_start3A_101, %dma_start3A_102] : memref<32x256x128xf32, #tpu.memory_space<hbm>> -> memref<1x256x64xf32, #tpu.memory_space<hbm>>
      %dma_start3A_104 = tpu.memref_squeeze %dma_start3A_103 : memref<1x256x64xf32, #tpu.memory_space<hbm>> -> memref<256x64xf32, #tpu.memory_space<hbm>>
      tpu.enqueue_dma source(%arg13 : memref<256x64xf32, #tpu.memory_space<vmem>>) target(%dma_start3A_104 : memref<256x64xf32, #tpu.memory_space<hbm>>) target_semaphore(%run_scoped3A : memref<!tpu.dma_semaphore, #tpu.memory_space<semaphore_mem>>)
      %dma_wait3A_105 = arith.constant 0 : i32
      %dma_wait3A_106 = arith.constant 64 : i32
      %dma_wait3A_107 = tpu.memref_slice %arg7[%add3A, %dma_wait3A_105, %dma_wait3A_106] : memref<32x256x128xf32, #tpu.memory_space<hbm>> -> memref<1x256x64xf32, #tpu.memory_space<hbm>>
      %dma_wait3A_108 = tpu.memref_squeeze %dma_wait3A_107 : memref<1x256x64xf32, #tpu.memory_space<hbm>> -> memref<256x64xf32, #tpu.memory_space<hbm>>
      %dma_wait3A_109 = arith.constant 0 : i32
      %dma_wait3A_110 = arith.constant 64 : i32
      %dma_wait3A_111 = tpu.memref_slice %arg7[%add3A, %dma_wait3A_109, %dma_wait3A_110] : memref<32x256x128xf32, #tpu.memory_space<hbm>> -> memref<1x256x64xf32, #tpu.memory_space<hbm>>
      %dma_wait3A_112 = tpu.memref_squeeze %dma_wait3A_111 : memref<1x256x64xf32, #tpu.memory_space<hbm>> -> memref<256x64xf32, #tpu.memory_space<hbm>>
      tpu.wait_dma2 semaphore(%run_scoped3A : memref<!tpu.dma_semaphore, #tpu.memory_space<semaphore_mem>>) src(%arg13 : memref<256x64xf32, #tpu.memory_space<vmem>>) dst(%dma_wait3A_112 : memref<256x64xf32, #tpu.memory_space<hbm>>)
      tpu.yield
    }) : () -> ()
    "tpu.region"() ({
      %run_scoped3A = tpu.sem_alloc : memref<!tpu.dma_semaphore, #tpu.memory_space<semaphore_mem>>
      %dma_start3A_97 = arith.constant 0 : i32
      %dma_start3A_98 = arith.constant 0 : i32
      %dma_start3A_99 = tpu.memref_slice %arg8[%add3A, %dma_start3A_97, %dma_start3A_98] : memref<32x256x128xf32, #tpu.memory_space<hbm>> -> memref<1x256x32xf32, #tpu.memory_space<hbm>>
      %dma_start3A_100 = tpu.memref_squeeze %dma_start3A_99 : memref<1x256x32xf32, #tpu.memory_space<hbm>> -> memref<256x32xf32, #tpu.memory_space<hbm>>
      %dma_start3A_101 = arith.constant 0 : i32
      %dma_start3A_102 = arith.constant 0 : i32
      %dma_start3A_103 = tpu.memref_slice %arg8[%add3A, %dma_start3A_101, %dma_start3A_102] : memref<32x256x128xf32, #tpu.memory_space<hbm>> -> memref<1x256x32xf32, #tpu.memory_space<hbm>>
      %dma_start3A_104 = tpu.memref_squeeze %dma_start3A_103 : memref<1x256x32xf32, #tpu.memory_space<hbm>> -> memref<256x32xf32, #tpu.memory_space<hbm>>
      tpu.enqueue_dma source(%arg14 : memref<256x32xf32, #tpu.memory_space<vmem>>) target(%dma_start3A_104 : memref<256x32xf32, #tpu.memory_space<hbm>>) target_semaphore(%run_scoped3A : memref<!tpu.dma_semaphore, #tpu.memory_space<semaphore_mem>>)
      %dma_wait3A_105 = arith.constant 0 : i32
      %dma_wait3A_106 = arith.constant 0 : i32
      %dma_wait3A_107 = tpu.memref_slice %arg8[%add3A, %dma_wait3A_105, %dma_wait3A_106] : memref<32x256x128xf32, #tpu.memory_space<hbm>> -> memref<1x256x32xf32, #tpu.memory_space<hbm>>
      %dma_wait3A_108 = tpu.memref_squeeze %dma_wait3A_107 : memref<1x256x32xf32, #tpu.memory_space<hbm>> -> memref<256x32xf32, #tpu.memory_space<hbm>>
      %dma_wait3A_109 = arith.constant 0 : i32
      %dma_wait3A_110 = arith.constant 0 : i32
      %dma_wait3A_111 = tpu.memref_slice %arg8[%add3A, %dma_wait3A_109, %dma_wait3A_110] : memref<32x256x128xf32, #tpu.memory_space<hbm>> -> memref<1x256x32xf32, #tpu.memory_space<hbm>>
      %dma_wait3A_112 = tpu.memref_squeeze %dma_wait3A_111 : memref<1x256x32xf32, #tpu.memory_space<hbm>> -> memref<256x32xf32, #tpu.memory_space<hbm>>
      tpu.wait_dma2 semaphore(%run_scoped3A : memref<!tpu.dma_semaphore, #tpu.memory_space<semaphore_mem>>) src(%arg14 : memref<256x32xf32, #tpu.memory_space<vmem>>) dst(%dma_wait3A_112 : memref<256x32xf32, #tpu.memory_space<hbm>>)
      tpu.yield
    }) : () -> ()
    return
  }
}

module attributes {stable_mosaic.version = 14 : i64} {
  func.func @_mlp_body(%arg0: i32, %arg1: memref<4096x128xf32, #tpu.memory_space<vmem>>, %arg2: memref<4096x128xf32, #tpu.memory_space<vmem>>, %arg3: memref<2x4096xf32, #tpu.memory_space<vmem>>, %arg4: memref<128x128xf32, #tpu.memory_space<vmem>>, %arg5: memref<128x128xf32, #tpu.memory_space<vmem>>, %arg6: memref<2x128xf32, #tpu.memory_space<vmem>>, %arg7: memref<1x128xf32, #tpu.memory_space<vmem>>, %arg8: memref<1x128xf32, #tpu.memory_space<vmem>>, %arg9: memref<1xf32, #tpu.memory_space<smem>>, %arg10: memref<4096xf32, #tpu.memory_space<vmem>>) attributes {dimension_semantics = [#tpu.dimension_semantics<arbitrary>], iteration_bounds = array<i64: 2>, scalar_prefetch = 0 : i64, scratch_operands = 0 : i64, tpu.core_type = #tpu.core_type<tc>, window_params = [{transform_indices = @transform_0, window_bounds = array<i64: 4096, 128>}, {transform_indices = @transform_1, window_bounds = array<i64: 4096, 128>}, {transform_indices = @transform_2, window_bounds = array<i64: 2, 4096>}, {pipeline_mode = #tpu.pipeline_mode<synchronous>, transform_indices = @transform_3, window_bounds = array<i64: 128, 128>}, {pipeline_mode = #tpu.pipeline_mode<synchronous>, transform_indices = @transform_4, window_bounds = array<i64: 128, 128>}, {pipeline_mode = #tpu.pipeline_mode<synchronous>, transform_indices = @transform_5, window_bounds = array<i64: 2, 128>}, {pipeline_mode = #tpu.pipeline_mode<synchronous>, transform_indices = @transform_6, window_bounds = array<i64: 1, 128>}, {pipeline_mode = #tpu.pipeline_mode<synchronous>, transform_indices = @transform_7, window_bounds = array<i64: 1, 128>}, {transform_indices = @transform_8, window_bounds = array<i64: 1>}, {transform_indices = @transform_9, window_bounds = array<i64: 4096>}]} {
    %iota3A = tpu.iota {dimensions = array<i32: 1>} : vector<4096x128xi32>
    %lt3A = arith.constant 32 : i32
    %lt3A_0 = vector.broadcast %lt3A : i32 to vector<4096x128xi32>
    %lt3A_1 = arith.cmpi slt, %iota3A, %lt3A_0 : vector<4096x128xi32>
    %get3A = arith.constant 0 : index
    %get3A_2 = arith.constant 0 : index
    %get3A_3 = vector.load %arg2[%get3A, %get3A_2] : memref<4096x128xf32, #tpu.memory_space<vmem>>, vector<4096x128xf32>
    %jit3A = arith.constant 0.000000e+00 : f32
    %broadcast_in_dim3A = vector.broadcast %jit3A : f32 to vector<4096x128xf32>
    %select_n3A = arith.select %lt3A_1, %get3A_3, %broadcast_in_dim3A : vector<4096x128xi1>, vector<4096x128xf32>
    %get3A_4 = arith.constant 0 : index
    %get3A_5 = arith.constant 0 : index
    %get3A_6 = vector.load %arg3[%get3A_4, %get3A_5] : memref<2x4096xf32, #tpu.memory_space<vmem>>, vector<2x4096xf32>
    %transpose3A = tpu.transpose %get3A_6, [1, 0] : vector<2x4096xf32> -> vector<4096x2xf32>
    %get3A_7 = arith.constant 0 : index
    %get3A_8 = arith.constant 0 : index
    %get3A_9 = vector.load %arg1[%get3A_7, %get3A_8] : memref<4096x128xf32, #tpu.memory_space<vmem>>, vector<4096x128xf32>
    %get3A_10 = arith.constant 0 : index
    %get3A_11 = arith.constant 0 : index
    %get3A_12 = vector.load %arg4[%get3A_10, %get3A_11] : memref<128x128xf32, #tpu.memory_space<vmem>>, vector<128x128xf32>
    %dot_general3A = arith.constant dense<0.000000e+00> : vector<4096x128xf32>
    %dot_general3A_13 = tpu.matmul %get3A_9, %get3A_12, %dot_general3A {dimension_numbers = #tpu.dot_dimension_numbers<[1], [0], [0], [1], [0, 0, 1, 1], [], []>, transpose_lhs_hint = false} : vector<4096x128xf32>, vector<128x128xf32>, vector<4096x128xf32> -> vector<4096x128xf32>
    %get3A_14 = arith.constant 0 : index
    %get3A_15 = arith.constant 0 : index
    %get3A_16 = vector.load %arg5[%get3A_14, %get3A_15] : memref<128x128xf32, #tpu.memory_space<vmem>>, vector<128x128xf32>
    %dot_general3A_17 = arith.constant dense<0.000000e+00> : vector<4096x128xf32>
    %dot_general3A_18 = tpu.matmul %select_n3A, %get3A_16, %dot_general3A_17 {dimension_numbers = #tpu.dot_dimension_numbers<[1], [0], [0], [1], [0, 0, 1, 1], [], []>, transpose_lhs_hint = false} : vector<4096x128xf32>, vector<128x128xf32>, vector<4096x128xf32> -> vector<4096x128xf32>
    %add3A = arith.addf %dot_general3A_13, %dot_general3A_18 : vector<4096x128xf32>
    %get3A_19 = arith.constant 0 : index
    %get3A_20 = arith.constant 0 : index
    %get3A_21 = vector.load %arg6[%get3A_19, %get3A_20] : memref<2x128xf32, #tpu.memory_space<vmem>>, vector<2x128xf32>
    %dot_general3A_22 = arith.constant dense<0.000000e+00> : vector<4096x128xf32>
    %dot_general3A_23 = tpu.matmul %transpose3A, %get3A_21, %dot_general3A_22 {dimension_numbers = #tpu.dot_dimension_numbers<[1], [0], [0], [1], [0, 0, 1, 1], [], []>, transpose_lhs_hint = false} : vector<4096x2xf32>, vector<2x128xf32>, vector<4096x128xf32> -> vector<4096x128xf32>
    %add3A_24 = arith.addf %add3A, %dot_general3A_23 : vector<4096x128xf32>
    %get3A_25 = arith.constant 0 : index
    %get3A_26 = arith.constant 0 : index
    %get3A_27 = vector.load %arg7[%get3A_25, %get3A_26] : memref<1x128xf32, #tpu.memory_space<vmem>>, vector<1x128xf32>
    %add3A_28 = vector.broadcast %get3A_27 : vector<1x128xf32> to vector<4096x128xf32>
    %add3A_29 = arith.addf %add3A_24, %add3A_28 : vector<4096x128xf32>
    %max3A = arith.constant 0.000000e+00 : f32
    %max3A_30 = vector.broadcast %max3A : f32 to vector<4096x128xf32>
    %max3A_31 = arith.maximumf %add3A_29, %max3A_30 : vector<4096x128xf32>
    %get3A_32 = arith.constant 0 : index
    %get3A_33 = arith.constant 0 : index
    %get3A_34 = vector.load %arg8[%get3A_32, %get3A_33] : memref<1x128xf32, #tpu.memory_space<vmem>>, vector<1x128xf32>
    %mul3A = vector.broadcast %get3A_34 : vector<1x128xf32> to vector<4096x128xf32>
    %mul3A_35 = arith.mulf %max3A_31, %mul3A : vector<4096x128xf32>
    %reduce_sum3A = arith.constant dense<0.000000e+00> : vector<4096xf32>
    %reduce_sum3A_36 = vector.multi_reduction <add>, %mul3A_35, %reduce_sum3A [1] : vector<4096x128xf32> to vector<4096xf32>
    %get3A_37 = arith.constant 0 : index
    %get3A_38 = memref.load %arg9[%get3A_37] : memref<1xf32, #tpu.memory_space<smem>>
    %add3A_39 = vector.broadcast %get3A_38 : f32 to vector<4096xf32>
    %add3A_40 = arith.addf %reduce_sum3A_36, %add3A_39 : vector<4096xf32>
    %swap3A = arith.constant 0 : index
    %swap3A_41 = vector.load %arg10[%swap3A] : memref<4096xf32, #tpu.memory_space<vmem>>, vector<4096xf32>
    tpu.vector_store %arg10[%swap3A], %add3A_40 {strides = array<i32>} : memref<4096xf32, #tpu.memory_space<vmem>>, vector<4096xf32>,
    return
  }
  func.func @transform_0(%arg0: i32) -> (i32, i32) {
    %c0_i32 = arith.constant 0 : i32
    %c0_i32_0 = arith.constant 0 : i32
    return %arg0, %c0_i32 : i32, i32
  }
  func.func @transform_1(%arg0: i32) -> (i32, i32) {
    %c0_i32 = arith.constant 0 : i32
    %c0_i32_0 = arith.constant 0 : i32
    return %arg0, %c0_i32 : i32, i32
  }
  func.func @transform_2(%arg0: i32) -> (i32, i32) {
    %c0_i32 = arith.constant 0 : i32
    %c0_i32_0 = arith.constant 0 : i32
    return %c0_i32, %arg0 : i32, i32
  }
  func.func @transform_3(%arg0: i32) -> (i32, i32) {
    %c0_i32 = arith.constant 0 : i32
    %c0_i32_0 = arith.constant 0 : i32
    %c0_i32_1 = arith.constant 0 : i32
    return %c0_i32, %c0_i32_0 : i32, i32
  }
  func.func @transform_4(%arg0: i32) -> (i32, i32) {
    %c0_i32 = arith.constant 0 : i32
    %c0_i32_0 = arith.constant 0 : i32
    %c0_i32_1 = arith.constant 0 : i32
    return %c0_i32, %c0_i32_0 : i32, i32
  }
  func.func @transform_5(%arg0: i32) -> (i32, i32) {
    %c0_i32 = arith.constant 0 : i32
    %c0_i32_0 = arith.constant 0 : i32
    %c0_i32_1 = arith.constant 0 : i32
    return %c0_i32, %c0_i32_0 : i32, i32
  }
  func.func @transform_6(%arg0: i32) -> (i32, i32) {
    %c0_i32 = arith.constant 0 : i32
    %c0_i32_0 = arith.constant 0 : i32
    %c0_i32_1 = arith.constant 0 : i32
    return %c0_i32, %c0_i32_0 : i32, i32
  }
  func.func @transform_7(%arg0: i32) -> (i32, i32) {
    %c0_i32 = arith.constant 0 : i32
    %c0_i32_0 = arith.constant 0 : i32
    %c0_i32_1 = arith.constant 0 : i32
    return %c0_i32, %c0_i32_0 : i32, i32
  }
  func.func @transform_8(%arg0: i32) -> i32 {
    %c0_i32 = arith.constant 0 : i32
    %c0_i32_0 = arith.constant 0 : i32
    return %c0_i32 : i32
  }
  func.func @transform_9(%arg0: i32) -> i32 {
    %c0_i32 = arith.constant 0 : i32
    return %arg0 : i32
  }
}

</mosaic_0001>

<sc_bundles>
// kernel: kernel.6.cloned.1.call-start
scs
__scs_entry_jumppad:
0x0: {  	(pc) =	sbr.rel $0x88, $3  }
0x1: {  	(tag) =	ssettag $0x0;
	lr =	simm.s32 $0x1  }
0x2: {  	[smem:$0x3F97] =	sst lr;
	_ =	strace $0xD0000000  }
0x3: {  	_ = 	snop  }
0x4: {  	_ = 	snop  }
0x5: {  	_ = 	snop  }
0x6: {  	_ = 	snop  }
0x7: {  	_ = 	snop  }
__scs_overlays_trampoline_lowered:
0x8: {  	[smem:$0x3FA6] =	sst s0  }
0x9: {  	[smem:$0x3FA7] =	sst s1  }
0xa: {  	[smem:$0x3FA8] =	sst s2  }
0xb: {  	[smem:$0x3FA9] =	sst s3  }
0xc: {  	[smem:$0x3FAA] =	sst s4  }
0xd: {  	[smem:$0x3FAB] =	sst s5  }
0xe: {  	[smem:$0x3FAC] =	sst s6  }
0xf: {  	[smem:$0x3FAD] =	sst s7  }
0x10: {  	[smem:$0x3FAE] =	sst s8  }
0x11: {  	[smem:$0x3FAF] =	sst s9;
	s0 =	simm.s32 @!p0 $0x0  }
0x12: {  	s1 =	sld [smem:$0x3F95];
	s0 =	simm.s32 @p0 $0x1  }
0x13: {  	[smem:$0x3FB0] =	sst s0;
	s0 =	simm.s32 @!p1 $0x0  }
0x14: {  	s2 =	sld [smem:$0x3F94];
	s0 =	simm.s32 @p1 $0x1  }
0x15: {  	[smem:$0x3FB1] =	sst s0;
	s0 =	simm.s32 @!p2 $0x0  }
0x16: {  	s3 =	sld [smem:$0x3FDB];
	s0 =	simm.s32 @p2 $0x1  }
0x17: {  	s4 =	simm.s32 $0x1BF5;
	[smem:$0x3FB3] =	sst s0  }
0x18: {  	s0 =	sld [smem:$0x3F96];
	_ =	swait.ge [sflag:s4], $0x0  }
0x19: {  	s7 =	sld [smem:$0x3F97]  }
0x1a: {  	s8 =	sadd.s32 $0xFFFFE003, lr  }
0x1b: {  	s9 =	sadd.s32 $0xFFFFFEF7, lr;
	s5 =	simm.s32 $0xFFFFFFFF;
	p2 =	slt.u32 s8, $0xFFFFF086  }
0x1c: {  	p1 =	slt.u32 s9, $0xF7A;
	s5 =	simm.s32 @!p2 $0x0  }
0x1d: {  	s5 =	simm.s32 @p1 $0x1;
	p0 =	seq.s32 s7, s2  }
0x1e: {  	s7 =	smul.u32 @!p0 $0xF7A, s2;
	p2 =	seq.s32 @!p0 s5, $0x0  }
0x1f: {  	s9 =	smul.u32 $0xF7A, s1;
	s8 =	simm.s32 @!p0 $0x1BF5;
	p2 =	por !p2, p0  }
0x20: {  	[sflag:s8] =	ssyncset.s32 @!p0 $0xFFFFF086;
	s6 =	sadd.s32 @!p0 s3, s7;
	s7 =	simm.s32 @!p0 $0x108  }
0x21: {  	s3 =	sadd.s32 s3, s9;
	s6 =	sadd.s32 @!p0 $0x88, s6;
	s7 =	simm.s32 @p2 $0x1082  }
0x22: {  	[simem:s7], [sflag:s8] =	dma.local @!p0 [hbm:s6], $0xF7A  }
0x23: {  	s9 =	sor.u32 $0xD0000000, s2;
	s6 =	simm.s32 $0x108;
	_ =	swait.ge @!p0 [sflag:s8], $0x0  }
0x24: {  	s3 =	sadd.s32 $0x88, s3;
	s6 =	simm.s32 @!p1 $0x1082;
	[sflag:s4] =	ssyncset.s32 $0xFFFFF086  }
0x25: {  	[simem:s6], [sflag:s4] =	dma.local [hbm:s3], $0xF7A  }
0x26: {  	[smem:$0x3F97] =	sst s1;
	(tag) =	ssettag s2;
	_ =	strace s9  }
0x27: {  	s1 =	sld [smem:$0x3FA7]  }
0x28: {  	s2 =	sld [smem:$0x3FA8]  }
0x29: {  	s4 =	sld [smem:$0x3FAA]  }
0x2a: {  	p0 =	seq.s32 s5, $0x0;
	s5 =	sld [smem:$0x3FAB]  }
0x2b: {  	s6 =	sld [smem:$0x3FAC]  }
0x2c: {  	s7 =	sld [smem:$0x3FAD]  }
0x2d: {  	s3 =	simm.s32 $0x108;
	s8 =	sld [smem:$0x3FAE]  }
0x2e: {  	s3 =	simm.s32 @!p0 $0x1082;
	s9 =	sld [smem:$0x3FAF]  }
0x2f: {  	lr =	sadd.s32 s0, s3;
	s0 =	sld [smem:$0x3FA6]  }
0x30: {  	s3 =	sld [smem:$0x3FA9]  }
0x31: {  	[smem:$0x3FB2] =	sst s10  }
0x32: {  	s10 =	sld [smem:$0x3FB0];
	_ =	sdelay $0x3  }
0x33: {  	p0 =	seq.s32 s10, $0x1;
	s10 =	sld [smem:$0x3FB2];
	_ =	sdelay $0x3  }
0x34: {  	[smem:$0x3FB2] =	sst s10  }
0x35: {  	s10 =	sld [smem:$0x3FB1];
	_ =	sdelay $0x3  }
0x36: {  	p1 =	seq.s32 s10, $0x1;
	s10 =	sld [smem:$0x3FB2];
	_ =	sdelay $0x3  }
0x37: {  	[smem:$0x3FB2] =	sst s10  }
0x38: {  	s10 =	sld [smem:$0x3FB3]  }
0x39: {  	_ = 	snop;
	(pc) =	sbr.ind lr, $3  }
0x3a: {  	_ = 	snop  }
0x3b: {  	_ = 	snop  }
0x3c: {  	p2 =	seq.s32 s10, $0x1;
	s10 =	sld [smem:$0x3FB2]  }
0x3d: {  	_ =	shalt  }
0x3e: {  	_ =	shalt  }
0x3f: {  	_ =	shalt  }
0x40: {  	_ =	shalt  }
0x41: {  	_ =	shalt  }
0x42: {  	_ =	shalt  }
0x43: {  	_ =	shalt  }
0x44: {  	_ =	shalt  }
0x45: {  	_ =	shalt  }
0x46: {  	_ =	shalt  }
0x47: {  	_ =	shalt  }
0x48: {  	_ =	shalt  }
0x49: {  	_ =	shalt  }
0x4a: {  	_ =	shalt  }
0x4b: {  	_ =	shalt  }
0x4c: {  	_ =	shalt  }
0x4d: {  	_ =	shalt  }
0x4e: {  	_ =	shalt  }
0x4f: {  	_ =	shalt  }
0x50: {  	_ =	shalt  }
0x51: {  	_ =	shalt  }
0x52: {  	_ =	shalt  }
0x53: {  	_ =	shalt  }
0x54: {  	_ =	shalt  }
0x55: {  	_ =	shalt  }
0x56: {  	_ =	shalt  }
0x57: {  	_ =	shalt  }
0x58: {  	_ =	shalt  }
0x59: {  	_ =	shalt  }
0x5a: {  	_ =	shalt  }
0x5b: {  	_ =	shalt  }
0x5c: {  	_ =	shalt  }
0x5d: {  	_ =	shalt  }
0x5e: {  	_ =	shalt  }
0x5f: {  	_ =	shalt  }
0x60: {  	_ =	shalt  }
0x61: {  	_ =	shalt  }
0x62: {  	_ =	shalt  }
0x63: {  	_ =	shalt  }
0x64: {  	_ =	shalt  }
0x65: {  	_ =	shalt  }
0x66: {  	_ =	shalt  }
0x67: {  	_ =	shalt  }
0x68: {  	_ =	shalt  }
0x69: {  	_ =	shalt  }
0x6a: {  	_ =	shalt  }
0x6b: {  	_ =	shalt  }
0x6c: {  	_ =	shalt  }
0x6d: {  	_ =	shalt  }
0x6e: {  	_ =	shalt  }
0x6f: {  	_ =	shalt  }
0x70: {  	_ =	shalt  }
0x71: {  	_ =	shalt  }
0x72: {  	_ =	shalt  }
0x73: {  	_ =	shalt  }
0x74: {  	_ =	shalt  }
0x75: {  	_ =	shalt  }
0x76: {  	_ =	shalt  }
0x77: {  	_ =	shalt  }
0x78: {  	_ =	shalt  }
0x79: {  	_ =	shalt  }
0x7a: {  	_ =	shalt  }
0x7b: {  	_ =	shalt  }
0x7c: {  	_ =	shalt  }
0x7d: {  	_ =	shalt  }
0x7e: {  	_ =	shalt  }
0x7f: {  	_ =	shalt  }
0x80: {  	_ =	shalt  }
0x81: {  	_ =	shalt  }
0x82: {  	_ =	shalt  }
0x83: {  	_ =	shalt  }
0x84: {  	_ =	shalt  }
0x85: {  	_ =	shalt  }
0x86: {  	_ =	shalt  }
0x87: {  	_ =	shalt  }
.Lfunc_end0:
.L_simem_size_0:
called_computation_lowered:
.L_overlay_start_0:
0x88: {  	s2 =	sld [smem:$0x3FD9]  }
0x89: {  	s3 =	sld [smem:$0x3FFE];
	_ =	sdelay $0x1  }
0x8a: {  	s1 =	srdreg.scid  }
0x8b: {  	s0 =	sand.u32 $0x1, s1  }
0x8c: {  	s17 =	sshll.u32 s0, $0xA;
	s2 =	sadd.s32 s3, s2  }
0x8d: {  	s2 =	sadd.s32 s2, s17  }
0x8e: {  	[smem:$0x3FBE] =	sst s2  }
0x8f: {  	_ = 	snop  }
0x90: {  	s2 =	sld [smem:$0x3FD0];
	(tm) =	ssettm $0x1  }
0x91: {  	s18 =	sld [smem:$0x3FFB];
	_ =	sdelay $0x3  }
0x92: {  	_ =	strace s18  }
0x93: {  	s3 =	sld [smem:$0x3FFC];
	_ =	sdelay $0x3  }
0x94: {  	_ =	strace s3  }
0x95: {  	s3 =	sld [smem:$0x3FFD];
	_ =	sdelay $0x3  }
0x96: {  	_ =	strace s3  }
0x97: {  	_ =	strace $0x8FFFFFFF  }
0x98: {  	s19 =	sld [smem:$0x3FDB];
	_ =	sdelay $0x1  }
0x99: {  	s4 =	simm.s32 $_scs_section_size  }
0x9a: {  	s5 =	simm.s32 $_size__tile_overlayer_lowered;
	s6 =	simm.s32 $_tile_overlayer_lowered  }
0x9b: {  	s22 =	simm.s32 $0x1BFF;
	s21 =	sshll.u32 s6, $0x1;
	s3 =	sadd.s32 s4, s19  }
0x9c: {  	s7 =	simm.s32 $0x0;
	s20 =	sshll.u32 s5, $0x1;
	s5 =	sadd.s32 s21, s3  }
0x9d: {  	[timem:s7], [sflag:s22] =	dma.local [hbm:s5], s20  }
0x9e: {  	_ =	swait.ge [sflag:s22], s20  }
0x9f: {  	s4 =	ssub.s32 $0x0, s20;
	[sflag:s22] =	ssyncset.done $0x0  }
0xa0: {  	[sflag:s22] =	ssyncadd.s32 s4;
	_ =	sdelay $0x1  }
0xa1: {  	s23 =	simm.s32 $0x1B8B  }
0xa2: {  	_ =	swait.ge [sflag:s23], $0x1  }
0xa3: {  	[sflag:s23] =	ssyncset.done $0x0  }
0xa4: {  	s25 =	simm.s32 $0x1B8E;
	s24 =	sld [smem:$0x3FFE];
	[sflag:s23] =	ssyncadd.s32 $0xFFFFFFFF  }
0xa5: {  	s26 =	simm.s32 $execute0_lowered;
	[smem:$0x3FD2] =	sst s25  }
0xa6: {  	s5 =	sshll.u32 s26, $0x1;
	_ =	strace $0x80000046;
	[dreg:$0x1] =	wrdreg $0xFFFFFFFF  }
0xa7: {  	s28 =	simm.s32 $_size_execute0_lowered;
	s3 =	sadd.s32 s3, s5;
	[dreg:$0x0] =	wrdreg $0x0  }
0xa8: {  	s5 =	sshll.u32 s28, $0x1;
	[dreg:$0x2] =	wrdreg s3  }
0xa9: {  	[dreg:$0x3] =	wrdreg s5  }
0xaa: {  	[dreg:$0x4] =	wrdreg $0xC0  }
0xab: {  	_ =	task [dreg:s7], $0x5FFFF  }
0xac: {  	[dreg:$0x1] =	wrdreg $0xFFFFFFFF  }
0xad: {  	[dreg:$0x0] =	wrdreg $0x60  }
0xae: {  	[dreg:$0x2] =	wrdreg s2  }
0xaf: {  	[dreg:$0x3] =	wrdreg s24  }
0xb0: {  	[dreg:$0x4] =	wrdreg $0x9  }
0xb1: {  	_ =	task.clear_ibuf [dreg:s7], $0x5FFFF;
	_ =	strace $0x90000046  }
0xb2: {  	s29 =	simm.s32 $0x9;
	_ =	strace $0x80000048  }
0xb3: {  	_ =	swait.ge [sflag:s29], $0x1  }
0xb4: {  	[sflag:s29] =	ssyncadd.s32 $0xFFFFFFFF  }
0xb5: {  	_ =	strace $0x90000048  }
0xb6: {  	_ =	sfence  }
0xb7: {  	s30 =	sld [smem:$0x0];
	_ =	sdelay $0x2  }
0xb8: {  	s31 =	sshll.u32 s1, $0xD;
	s1 =	sshrl.u32 s1, $0x2  }
0xb9: {  	s3 =	sand.u32 $0x4000, s31;
	s1 =	sadd.s32 s1, s30  }
0xba: {  	s0 =	sor.u32 s3, s0;
	s1 =	sshll.u32 s1, $0x11  }
0xbb: {  	s0 =	sor.u32 s1, s0  }
0xbc: {  	s0 =	sadd.s32 $0x8F2B, s0  }
0xbd: {  	[sflag:s0] =	ssyncadd.remote.s32 $0x1  }
0xbe: {  	_ =	sfence.sel $0xFFFF  }
0xbf: {  	[dreg:$0x0] =	wrdreg $0xFFFFFFFF;
	(pc) =	sbr.abs _section_cstart, $3  }
0xc0: {  	[dreg:$0x1] =	wrdreg $0xFFFFFFFF  }
0xc1: {  	_ =	task.clear_ibuf [dreg:s7], $0x2FFFF;
	_ =	strace $0x9FFFFFFF  }
0xc2: {  	(tm) =	ssettm $0x7FFFFFFF  }
0xc3: {  	_ =	shalt  }
tec
execute0_lowered:
.L_overlay_start_1:
0x0: {  	(tag) =	ssettag $0x1  }
0x1: {  	s3 =	rddreg [dreg:$0x0]  }
0x2: {  	s1 =	srdreg.scid;
	s0 =	stileid.u32  }
0x3: {  	s21 =	rddreg [dreg:$0x1];
	s23 =	sand.u32 $0x1, s1;
	s4 =	sshll.u32 s0, $0x1  }
0x4: {  	s2 =	simm.s32 $0x0;
	s1 =	rddreg [dreg:$0x2];
	s22 =	sor.u32 s23, s4  }
0x5: {  	[smem:$0x7FF] =	sst s2;
	s5 =	sshll.u32 s22, $0x5  }
0x6: {  	_ =	strace $0x80000047;
	s4 =	sadd.s32 s3, s5;
	s3 =	simm.s32 $0x2  }
0x7: {  	[tilespmem:s2], [sflag:$0x2] =	stream.linear.gather [hbm4b:s4+s2], $0x100, $0x38;
	[tilespmem:$0xA300] =	vst v63  }
0x8: {  	_ =	swait.ge [sflag:s3], $0x100  }
0x9: {  	s7 =	sadd.s32 s5, s21;
	[sflag:s3] =	ssyncset.done $0x0  }
0xa: {  	s6 =	simm.s32 $0x100;
	s5 =	sadd.s32 $0x4800, s7;
	[sflag:s3] =	ssyncadd.s32 $0xFFFFFF00  }
0xb: {  	[tilespmem:s6], [sflag:$0x2] =	stream.linear.gather [hbm4b:s5+s2], $0x100, $0x38;
	[tilespmem:$0xA300] =	vst v63  }
0xc: {  	_ =	swait.ge [sflag:s3], $0x100  }
0xd: {  	[sflag:s3] =	ssyncset.done $0x0  }
0xe: {  	s8 =	simm.s32 $0x200;
	s7 =	sadd.s32 $0x4000, s7;
	[sflag:s3] =	ssyncadd.s32 $0xFFFFFF00  }
0xf: {  	[tilespmem:s8], [sflag:$0x2] =	stream.linear.gather [hbm4b:s7+s2], $0x100, $0x38;
	[tilespmem:$0xA300] =	vst v63  }
0x10: {  	_ =	swait.ge [sflag:s3], $0x100  }
0x11: {  	s10 =	simm.s32 $0x80;
	[sflag:s3] =	ssyncset.done $0x0  }
0x12: {  	s11 =	simm.s32 $0x300;
	s9 =	sadd.s32 $0x189A00, s21;
	[sflag:s3] =	ssyncadd.s32 $0xFFFFFF00  }
0x13: {  	[tilespmem:s11], [sflag:$0x1] =	stream.indirect.gather [hbm4b:s9+s10], $0x40, s2, s10, $0xb8;
	[tilespmem:$0xA300] =	vst v63  }
0x14: {  	s12 =	simm.s32 $0x4300  }
0x15: {  	[tilespmem:s12], [sflag:$0x1] =	stream.indirect.gather [hbm4b:s9+s10], $0x40, s6, s10, $0xb8;
	[tilespmem:$0xA300] =	vst v63  }
0x16: {  	s14 =	simm.s32 $0x8300;
	s13 =	sadd.s32 $0x3000, s21  }
0x17: {  	[tilespmem:s14], [sflag:$0x1] =	stream.indirect.gather [hbm4b:s13+s10], $0x20, s8, s10, $0xb8;
	[tilespmem:$0xA300] =	vst v63  }
0x18: {  	s15 =	simm.s32 $0x2300  }
0x19: {  	[tilespmem:s15], [sflag:$0x1] =	stream.indirect.gather [hbm4b:s9+s10], $0x40, s10, s10, $0xb8;
	[tilespmem:$0xA300] =	vst v63  }
0x1a: {  	s16 =	simm.s32 $0x180;
	s17 =	simm.s32 $0x6300  }
0x1b: {  	[tilespmem:s17], [sflag:$0x1] =	stream.indirect.gather [hbm4b:s9+s10], $0x40, s16, s10, $0xb8;
	[tilespmem:$0xA300] =	vst v63  }
0x1c: {  	s18 =	simm.s32 $0x280;
	s19 =	simm.s32 $0x9300;
	s20 =	simm.s32 $0x1  }
0x1d: {  	[tilespmem:s19], [sflag:$0x1] =	stream.indirect.gather [hbm4b:s13+s10], $0x20, s18, s10, $0xb8;
	[tilespmem:$0xA300] =	vst v63  }
0x1e: {  	_ =	swait.ge [sflag:s20], $0x2000  }
0x1f: {  	[sflag:s20] =	ssyncset.done $0x0  }
0x20: {  	[sflag:s20] =	ssyncadd.s32 $0xFFFFE000  }
0x21: {  	_ =	swait.ge [sflag:s20], $0x2000  }
0x22: {  	[sflag:s20] =	ssyncset.done $0x0  }
0x23: {  	[sflag:s20] =	ssyncadd.s32 $0xFFFFE000  }
0x24: {  	_ =	swait.ge [sflag:s20], $0x1000  }
0x25: {  	[sflag:s20] =	ssyncset.done $0x0  }
0x26: {  	[sflag:s20] =	ssyncadd.s32 $0xFFFFF000  }
0x27: {  	_ =	swait.ge [sflag:s20], $0x2000  }
0x28: {  	[sflag:s20] =	ssyncset.done $0x0  }
0x29: {  	[sflag:s20] =	ssyncadd.s32 $0xFFFFE000  }
0x2a: {  	_ =	swait.ge [sflag:s20], $0x2000  }
0x2b: {  	[sflag:s20] =	ssyncset.done $0x0  }
0x2c: {  	[sflag:s20] =	ssyncadd.s32 $0xFFFFE000  }
0x2d: {  	s22 =	sshll.u32 s22, $0xC;
	_ =	swait.ge [sflag:s20], $0x1000  }
0x2e: {  	s25 =	ssub.s32 $0x2, s23;
	s24 =	sadd.s32 s22, s21;
	[sflag:s20] =	ssyncset.done $0x0  }
0x2f: {  	s22 =	simm.s32 $0x40;
	s21 =	sadd.s32 $0x5400, s24;
	[sflag:s20] =	ssyncadd.s32 $0xFFFFF000  }
0x30: {  	[hbm4b:s21+s22] =	stream.strided.scatter [tilespmem:s11], [sflag:$0x2], $0x4000, s10, s22, $0x38;
	[tilespmem:$0xA300] =	vst v63  }
0x31: {  	s26 =	sshrl.u32 s25, $0x1;
	_ =	swait.ge [sflag:s3], $0x4000  }
0x32: {  	s25 =	ssub.s32 s25, s26;
	[sflag:s3] =	ssyncset.done $0x0  }
0x33: {  	s23 =	sadd.s32 $0x5408, s24;
	s26 =	smax.u32 s25, $0x1;
	[sflag:s3] =	ssyncadd.s32 $0xFFFFC000  }
0x34: {  	[hbm4b:s23+s22] =	stream.strided.scatter [tilespmem:s12], [sflag:$0x2], $0x4000, s10, s22, $0x38;
	[tilespmem:$0xA300] =	vst v63  }
0x35: {  	p0 =	sne.s32 s26, $0x1;
	_ =	swait.ge [sflag:s3], $0x4000  }
.Ltmp0:
0x36: {  	[sflag:s3] =	ssyncset.done $0x0;
	(pc) =	sbr.rel @!p0 .LBB2_2-.Ltmp0, $4  }
0x37: {  	s24 =	sadd.s32 $0x25400, s24;
	s25 =	simm.s32 $0x20;
	[sflag:s3] =	ssyncadd.s32 $0xFFFFC000  }
0x38: {  	[hbm4b:s24+s25] =	stream.strided.scatter [tilespmem:s14], [sflag:$0x2], $0x2000, s10, s25, $0x38;
	[tilespmem:$0xA300] =	vst v63  }
0x39: {  	_ =	swait.ge [sflag:s3], $0x2000  }
0x3a: {  	s26 =	sadd.s32 $0xFFFFFFFF, s26;
	[sflag:s3] =	ssyncset.done $0x0  }
.LBB2_1:
0x3b: {  	p0 =	sne.s32 s26, $0x1;
	s26 =	sadd.s32 $0xFFFFFFFF, s26;
	[sflag:s3] =	ssyncadd.s32 $0xFFFFE000  }
0x3c: {  	[tilespmem:s2], [sflag:$0x2] =	stream.linear.gather [hbm4b:s4+s2], $0x100, $0x38;
	[tilespmem:$0xA300] =	vst v63  }
0x3d: {  	_ =	swait.ge [sflag:s3], $0x100  }
0x3e: {  	[sflag:s3] =	ssyncset.done $0x0  }
0x3f: {  	[sflag:s3] =	ssyncadd.s32 $0xFFFFFF00  }
0x40: {  	[tilespmem:s6], [sflag:$0x2] =	stream.linear.gather [hbm4b:s5+s2], $0x100, $0x38;
	[tilespmem:$0xA300] =	vst v63  }
0x41: {  	_ =	swait.ge [sflag:s3], $0x100  }
0x42: {  	[sflag:s3] =	ssyncset.done $0x0  }
0x43: {  	[sflag:s3] =	ssyncadd.s32 $0xFFFFFF00  }
0x44: {  	[tilespmem:s8], [sflag:$0x2] =	stream.linear.gather [hbm4b:s7+s2], $0x100, $0x38;
	[tilespmem:$0xA300] =	vst v63  }
0x45: {  	_ =	swait.ge [sflag:s3], $0x100  }
0x46: {  	[sflag:s3] =	ssyncset.done $0x0  }
0x47: {  	[sflag:s3] =	ssyncadd.s32 $0xFFFFFF00  }
0x48: {  	[tilespmem:s11], [sflag:$0x1] =	stream.indirect.gather [hbm4b:s9+s10], $0x40, s2, s10, $0xb8;
	[tilespmem:$0xA300] =	vst v63  }
0x49: {  	_ = 	snop  }
0x4a: {  	[tilespmem:s12], [sflag:$0x1] =	stream.indirect.gather [hbm4b:s9+s10], $0x40, s6, s10, $0xb8;
	[tilespmem:$0xA300] =	vst v63  }
0x4b: {  	_ = 	snop  }
0x4c: {  	[tilespmem:s14], [sflag:$0x1] =	stream.indirect.gather [hbm4b:s13+s10], $0x20, s8, s10, $0xb8;
	[tilespmem:$0xA300] =	vst v63  }
0x4d: {  	_ = 	snop  }
0x4e: {  	[tilespmem:s15], [sflag:$0x1] =	stream.indirect.gather [hbm4b:s9+s10], $0x40, s10, s10, $0xb8;
	[tilespmem:$0xA300] =	vst v63  }
0x4f: {  	_ = 	snop  }
0x50: {  	[tilespmem:s17], [sflag:$0x1] =	stream.indirect.gather [hbm4b:s9+s10], $0x40, s16, s10, $0xb8;
	[tilespmem:$0xA300] =	vst v63  }
0x51: {  	_ = 	snop  }
0x52: {  	[tilespmem:s19], [sflag:$0x1] =	stream.indirect.gather [hbm4b:s13+s10], $0x20, s18, s10, $0xb8;
	[tilespmem:$0xA300] =	vst v63  }
0x53: {  	_ =	swait.ge [sflag:s20], $0x2000  }
0x54: {  	[sflag:s20] =	ssyncset.done $0x0  }
0x55: {  	[sflag:s20] =	ssyncadd.s32 $0xFFFFE000  }
0x56: {  	_ =	swait.ge [sflag:s20], $0x2000  }
0x57: {  	[sflag:s20] =	ssyncset.done $0x0  }
0x58: {  	[sflag:s20] =	ssyncadd.s32 $0xFFFFE000  }
0x59: {  	_ =	swait.ge [sflag:s20], $0x1000  }
0x5a: {  	[sflag:s20] =	ssyncset.done $0x0  }
0x5b: {  	[sflag:s20] =	ssyncadd.s32 $0xFFFFF000  }
0x5c: {  	_ =	swait.ge [sflag:s20], $0x2000  }
0x5d: {  	[sflag:s20] =	ssyncset.done $0x0  }
0x5e: {  	[sflag:s20] =	ssyncadd.s32 $0xFFFFE000  }
0x5f: {  	_ =	swait.ge [sflag:s20], $0x2000  }
0x60: {  	[sflag:s20] =	ssyncset.done $0x0  }
0x61: {  	[sflag:s20] =	ssyncadd.s32 $0xFFFFE000  }
0x62: {  	_ =	swait.ge [sflag:s20], $0x1000  }
0x63: {  	[sflag:s20] =	ssyncset.done $0x0  }
0x64: {  	[sflag:s20] =	ssyncadd.s32 $0xFFFFF000  }
0x65: {  	[hbm4b:s21+s22] =	stream.strided.scatter [tilespmem:s11], [sflag:$0x2], $0x4000, s10, s22, $0x38;
	[tilespmem:$0xA300] =	vst v63  }
0x66: {  	_ =	swait.ge [sflag:s3], $0x4000  }
0x67: {  	[sflag:s3] =	ssyncset.done $0x0  }
0x68: {  	[sflag:s3] =	ssyncadd.s32 $0xFFFFC000  }
0x69: {  	[hbm4b:s23+s22] =	stream.strided.scatter [tilespmem:s12], [sflag:$0x2], $0x4000, s10, s22, $0x38;
	[tilespmem:$0xA300] =	vst v63  }
0x6a: {  	_ =	swait.ge [sflag:s3], $0x4000  }
.Ltmp1:
0x6b: {  	[sflag:s3] =	ssyncset.done $0x0;
	(pc) =	sbr.rel @p0 .LBB2_1-.Ltmp1, $4  }
0x6c: {  	[sflag:s3] =	ssyncadd.s32 $0xFFFFC000  }
0x6d: {  	[hbm4b:s24+s25] =	stream.strided.scatter [tilespmem:s14], [sflag:$0x2], $0x2000, s10, s25, $0x38;
	[tilespmem:$0xA300] =	vst v63  }
0x6e: {  	_ =	swait.ge [sflag:s3], $0x2000  }
0x6f: {  	[sflag:s3] =	ssyncset.done $0x0  }
.LBB2_2:
0x70: {  	[sflag:s3] =	ssyncadd.s32 $0xFFFFE000  }
0x71: {  	_ =	sfence.sel $0x180000  }
0x72: {  	[bflag:$0x0] =	sbarrier.arrive $0xFFFF  }
0x73: {  	p0 =	sne.s32 s0, $0x0;
	_ =	strace $0x90000047  }
0x74: {  	s0 =	sadd.s32 @!p0 $0x100000, s1;
	[bflag:$0x2] =	sbarrier.arrive $0xFFFF  }
0x75: {  	[sflag:s0] =	ssyncadd.tile.s32 @!p0 $0x1;
	_ =	shalt  }
.Lfunc_end2:
_tile_overlayer_lowered:
.L_overlay_start_2:
0x76: {  	(tag) =	ssettag $0x2  }
0x77: {  	s0 =	rddreg [dreg:$0x0];
	s2 =	stileid.u32  }
0x78: {  	s1 =	rddreg [dreg:$0x1];
	p0 =	sne.s32 s2, $0x0  }
0x79: {  	s3 =	rddreg [dreg:$0x2];
	[bflag:$0x3] =	sbarrier.arrive $0xFFFF;
	s2 =	simm.s32 @!p0 $0x1C02  }
0x7a: {  	[timem:s3], [sflag:s2] =	dma.local @!p0 [hbm:s0], s1  }
0x7b: {  	s0 =	simm.s32 @!p0 $0x2  }
0x7c: {  	_ =	swait.ge @!p0 [sflag:s0], s1  }
0x7d: {  	s1 =	ssub.s32 @!p0 $0x0, s1;
	[sflag:s0] =	ssyncset.done @!p0 $0x0  }
0x7e: {  	[sflag:s0] =	ssyncadd.s32 @!p0 s1  }
0x7f: {  	[bflag:$0x3] =	sbarrier.arrive $0xFFFF  }
0x80: {  	_ =	shalt  }

// kernel: kernel.9.cloned.1.call-start
scs
__scs_entry_jumppad:
0x0: {  	(pc) =	sbr.rel $0x88, $3  }
0x1: {  	(tag) =	ssettag $0x0;
	lr =	simm.s32 $0x1  }
0x2: {  	[smem:$0x3F97] =	sst lr;
	_ =	strace $0xD0000000  }
0x3: {  	_ = 	snop  }
0x4: {  	_ = 	snop  }
0x5: {  	_ = 	snop  }
0x6: {  	_ = 	snop  }
0x7: {  	_ = 	snop  }
__scs_overlays_trampoline_lowered:
0x8: {  	[smem:$0x3FA6] =	sst s0  }
0x9: {  	[smem:$0x3FA7] =	sst s1  }
0xa: {  	[smem:$0x3FA8] =	sst s2  }
0xb: {  	[smem:$0x3FA9] =	sst s3  }
0xc: {  	[smem:$0x3FAA] =	sst s4  }
0xd: {  	[smem:$0x3FAB] =	sst s5  }
0xe: {  	[smem:$0x3FAC] =	sst s6  }
0xf: {  	[smem:$0x3FAD] =	sst s7  }
0x10: {  	[smem:$0x3FAE] =	sst s8  }
0x11: {  	[smem:$0x3FAF] =	sst s9;
	s0 =	simm.s32 @!p0 $0x0  }
0x12: {  	s1 =	sld [smem:$0x3F95];
	s0 =	simm.s32 @p0 $0x1  }
0x13: {  	[smem:$0x3FB0] =	sst s0;
	s0 =	simm.s32 @!p1 $0x0  }
0x14: {  	s2 =	sld [smem:$0x3F94];
	s0 =	simm.s32 @p1 $0x1  }
0x15: {  	[smem:$0x3FB1] =	sst s0;
	s0 =	simm.s32 @!p2 $0x0  }
0x16: {  	s3 =	sld [smem:$0x3FDB];
	s0 =	simm.s32 @p2 $0x1  }
0x17: {  	s4 =	simm.s32 $0x1BF5;
	[smem:$0x3FB3] =	sst s0  }
0x18: {  	s0 =	sld [smem:$0x3F96];
	_ =	swait.ge [sflag:s4], $0x0  }
0x19: {  	s7 =	sld [smem:$0x3F97]  }
0x1a: {  	s8 =	sadd.s32 $0xFFFFE003, lr  }
0x1b: {  	s9 =	sadd.s32 $0xFFFFFEF7, lr;
	s5 =	simm.s32 $0xFFFFFFFF;
	p2 =	slt.u32 s8, $0xFFFFF086  }
0x1c: {  	p1 =	slt.u32 s9, $0xF7A;
	s5 =	simm.s32 @!p2 $0x0  }
0x1d: {  	s5 =	simm.s32 @p1 $0x1;
	p0 =	seq.s32 s7, s2  }
0x1e: {  	s7 =	smul.u32 @!p0 $0xF7A, s2;
	p2 =	seq.s32 @!p0 s5, $0x0  }
0x1f: {  	s9 =	smul.u32 $0xF7A, s1;
	s8 =	simm.s32 @!p0 $0x1BF5;
	p2 =	por !p2, p0  }
0x20: {  	[sflag:s8] =	ssyncset.s32 @!p0 $0xFFFFF086;
	s6 =	sadd.s32 @!p0 s3, s7;
	s7 =	simm.s32 @!p0 $0x108  }
0x21: {  	s3 =	sadd.s32 s3, s9;
	s6 =	sadd.s32 @!p0 $0x88, s6;
	s7 =	simm.s32 @p2 $0x1082  }
0x22: {  	[simem:s7], [sflag:s8] =	dma.local @!p0 [hbm:s6], $0xF7A  }
0x23: {  	s9 =	sor.u32 $0xD0000000, s2;
	s6 =	simm.s32 $0x108;
	_ =	swait.ge @!p0 [sflag:s8], $0x0  }
0x24: {  	s3 =	sadd.s32 $0x88, s3;
	s6 =	simm.s32 @!p1 $0x1082;
	[sflag:s4] =	ssyncset.s32 $0xFFFFF086  }
0x25: {  	[simem:s6], [sflag:s4] =	dma.local [hbm:s3], $0xF7A  }
0x26: {  	[smem:$0x3F97] =	sst s1;
	(tag) =	ssettag s2;
	_ =	strace s9  }
0x27: {  	s1 =	sld [smem:$0x3FA7]  }
0x28: {  	s2 =	sld [smem:$0x3FA8]  }
0x29: {  	s4 =	sld [smem:$0x3FAA]  }
0x2a: {  	p0 =	seq.s32 s5, $0x0;
	s5 =	sld [smem:$0x3FAB]  }
0x2b: {  	s6 =	sld [smem:$0x3FAC]  }
0x2c: {  	s7 =	sld [smem:$0x3FAD]  }
0x2d: {  	s3 =	simm.s32 $0x108;
	s8 =	sld [smem:$0x3FAE]  }
0x2e: {  	s3 =	simm.s32 @!p0 $0x1082;
	s9 =	sld [smem:$0x3FAF]  }
0x2f: {  	lr =	sadd.s32 s0, s3;
	s0 =	sld [smem:$0x3FA6]  }
0x30: {  	s3 =	sld [smem:$0x3FA9]  }
0x31: {  	[smem:$0x3FB2] =	sst s10  }
0x32: {  	s10 =	sld [smem:$0x3FB0];
	_ =	sdelay $0x3  }
0x33: {  	p0 =	seq.s32 s10, $0x1;
	s10 =	sld [smem:$0x3FB2];
	_ =	sdelay $0x3  }
0x34: {  	[smem:$0x3FB2] =	sst s10  }
0x35: {  	s10 =	sld [smem:$0x3FB1];
	_ =	sdelay $0x3  }
0x36: {  	p1 =	seq.s32 s10, $0x1;
	s10 =	sld [smem:$0x3FB2];
	_ =	sdelay $0x3  }
0x37: {  	[smem:$0x3FB2] =	sst s10  }
0x38: {  	s10 =	sld [smem:$0x3FB3]  }
0x39: {  	_ = 	snop;
	(pc) =	sbr.ind lr, $3  }
0x3a: {  	_ = 	snop  }
0x3b: {  	_ = 	snop  }
0x3c: {  	p2 =	seq.s32 s10, $0x1;
	s10 =	sld [smem:$0x3FB2]  }
0x3d: {  	_ =	shalt  }
0x3e: {  	_ =	shalt  }
0x3f: {  	_ =	shalt  }
0x40: {  	_ =	shalt  }
0x41: {  	_ =	shalt  }
0x42: {  	_ =	shalt  }
0x43: {  	_ =	shalt  }
0x44: {  	_ =	shalt  }
0x45: {  	_ =	shalt  }
0x46: {  	_ =	shalt  }
0x47: {  	_ =	shalt  }
0x48: {  	_ =	shalt  }
0x49: {  	_ =	shalt  }
0x4a: {  	_ =	shalt  }
0x4b: {  	_ =	shalt  }
0x4c: {  	_ =	shalt  }
0x4d: {  	_ =	shalt  }
0x4e: {  	_ =	shalt  }
0x4f: {  	_ =	shalt  }
0x50: {  	_ =	shalt  }
0x51: {  	_ =	shalt  }
0x52: {  	_ =	shalt  }
0x53: {  	_ =	shalt  }
0x54: {  	_ =	shalt  }
0x55: {  	_ =	shalt  }
0x56: {  	_ =	shalt  }
0x57: {  	_ =	shalt  }
0x58: {  	_ =	shalt  }
0x59: {  	_ =	shalt  }
0x5a: {  	_ =	shalt  }
0x5b: {  	_ =	shalt  }
0x5c: {  	_ =	shalt  }
0x5d: {  	_ =	shalt  }
0x5e: {  	_ =	shalt  }
0x5f: {  	_ =	shalt  }
0x60: {  	_ =	shalt  }
0x61: {  	_ =	shalt  }
0x62: {  	_ =	shalt  }
0x63: {  	_ =	shalt  }
0x64: {  	_ =	shalt  }
0x65: {  	_ =	shalt  }
0x66: {  	_ =	shalt  }
0x67: {  	_ =	shalt  }
0x68: {  	_ =	shalt  }
0x69: {  	_ =	shalt  }
0x6a: {  	_ =	shalt  }
0x6b: {  	_ =	shalt  }
0x6c: {  	_ =	shalt  }
0x6d: {  	_ =	shalt  }
0x6e: {  	_ =	shalt  }
0x6f: {  	_ =	shalt  }
0x70: {  	_ =	shalt  }
0x71: {  	_ =	shalt  }
0x72: {  	_ =	shalt  }
0x73: {  	_ =	shalt  }
0x74: {  	_ =	shalt  }
0x75: {  	_ =	shalt  }
0x76: {  	_ =	shalt  }
0x77: {  	_ =	shalt  }
0x78: {  	_ =	shalt  }
0x79: {  	_ =	shalt  }
0x7a: {  	_ =	shalt  }
0x7b: {  	_ =	shalt  }
0x7c: {  	_ =	shalt  }
0x7d: {  	_ =	shalt  }
0x7e: {  	_ =	shalt  }
0x7f: {  	_ =	shalt  }
0x80: {  	_ =	shalt  }
0x81: {  	_ =	shalt  }
0x82: {  	_ =	shalt  }
0x83: {  	_ =	shalt  }
0x84: {  	_ =	shalt  }
0x85: {  	_ =	shalt  }
0x86: {  	_ =	shalt  }
0x87: {  	_ =	shalt  }
.Lfunc_end0:
.L_simem_size_0:
called_computation.1_lowered:
.L_overlay_start_0:
0x88: {  	s2 =	sld [smem:$0x3FD9]  }
0x89: {  	s3 =	sld [smem:$0x3FFE];
	_ =	sdelay $0x1  }
0x8a: {  	s1 =	srdreg.scid  }
0x8b: {  	s0 =	sand.u32 $0x1, s1  }
0x8c: {  	s17 =	sshll.u32 s0, $0xA;
	s2 =	sadd.s32 s3, s2  }
0x8d: {  	s2 =	sadd.s32 s2, s17  }
0x8e: {  	[smem:$0x3FBE] =	sst s2  }
0x8f: {  	_ = 	snop  }
0x90: {  	(tm) =	ssettm $0x1  }
0x91: {  	s18 =	sld [smem:$0x3FFB];
	_ =	sdelay $0x3  }
0x92: {  	_ =	strace s18  }
0x93: {  	s2 =	sld [smem:$0x3FFC];
	_ =	sdelay $0x3  }
0x94: {  	_ =	strace s2  }
0x95: {  	s2 =	sld [smem:$0x3FFD];
	_ =	sdelay $0x3  }
0x96: {  	_ =	strace s2  }
0x97: {  	_ =	strace $0x8FFFFFFF  }
0x98: {  	s19 =	sld [smem:$0x3FDB];
	_ =	sdelay $0x1  }
0x99: {  	s20 =	simm.s32 $_scs_section_size  }
0x9a: {  	s4 =	simm.s32 $_size__tile_overlayer_lowered;
	s5 =	simm.s32 $_tile_overlayer_lowered  }
0x9b: {  	s6 =	simm.s32 $0x1BFF;
	s21 =	sshll.u32 s5, $0x1;
	s3 =	sadd.s32 s20, s19  }
0x9c: {  	s22 =	simm.s32 $0x0;
	s4 =	sshll.u32 s4, $0x1;
	s5 =	sadd.s32 s21, s3  }
0x9d: {  	[timem:s22], [sflag:s6] =	dma.local [hbm:s5], s4  }
0x9e: {  	_ =	swait.ge [sflag:s6], s4  }
0x9f: {  	s4 =	ssub.s32 $0x0, s4;
	[sflag:s6] =	ssyncset.done $0x0  }
0xa0: {  	[sflag:s6] =	ssyncadd.s32 s4;
	_ =	sdelay $0x1  }
0xa1: {  	s23 =	simm.s32 $0x1B8B  }
0xa2: {  	_ =	swait.ge [sflag:s23], $0x1  }
0xa3: {  	[sflag:s23] =	ssyncset.done $0x0  }
0xa4: {  	[sflag:s23] =	ssyncadd.s32 $0xFFFFFFFF  }
0xa5: {  	s4 =	sld [smem:$0x0]  }
0xa6: {  	s5 =	sand.u32 $0xFFFFFFFE, s1  }
0xa7: {  	p0 =	sne.s32 s1, s5  }
0xa8: {  	s5 =	sshll.u32 @p0 s5, $0xE  }
0xa9: {  	s5 =	sadd.s32 @p0 $0x11B8D, s5;
	s6 =	sshll.u32 @p0 s4, $0x11  }
0xaa: {  	s5 =	sor.u32 @p0 s6, s5  }
0xab: {  	[sflag:s5] =	ssyncadd.remote.s32 @p0 $0x1;
	_ =	sdelay $0x1  }
0xac: {  	s5 =	simm.s32 @p0 $0x1B8D  }
0xad: {  	_ =	swait.eq @p0 [sflag:s5], $0x1  }
0xae: {  	[sflag:s5] =	ssyncadd.s32 @p0 $0xFFFFFFFF  }
0xaf: {  	s6 =	sshll.u32 @!p0 s1, $0xE  }
0xb0: {  	s6 =	sor.u32 @!p0 $0x4000, s6;
	s5 =	simm.s32 @!p0 $0x1B8D  }
0xb1: {  	s4 =	sshll.u32 @!p0 s4, $0x11;
	s6 =	sadd.s32 @!p0 $0x11B8D, s6;
	_ =	swait.eq @!p0 [sflag:s5], $0x1  }
0xb2: {  	s4 =	sor.u32 @!p0 s4, s6;
	[sflag:s5] =	ssyncadd.s32 @!p0 $0xFFFFFFFF  }
0xb3: {  	s25 =	simm.s32 $0x1B8E;
	s24 =	sld [smem:$0x3FFE];
	[sflag:s4] =	ssyncadd.remote.s32 @!p0 $0x1  }
0xb4: {  	s26 =	simm.s32 $execute0_lowered;
	[smem:$0x3FD2] =	sst s25  }
0xb5: {  	s5 =	sshll.u32 s26, $0x1;
	_ =	strace $0x80000049;
	[dreg:$0x1] =	wrdreg $0xFFFFFFFF  }
0xb6: {  	s28 =	simm.s32 $_size_execute0_lowered;
	s3 =	sadd.s32 s3, s5;
	[dreg:$0x0] =	wrdreg $0x0  }
0xb7: {  	s5 =	sshll.u32 s28, $0x1;
	[dreg:$0x2] =	wrdreg s3  }
0xb8: {  	[dreg:$0x3] =	wrdreg s5  }
0xb9: {  	[dreg:$0x4] =	wrdreg $0xC0  }
0xba: {  	_ =	task [dreg:s22], $0x5FFFF  }
0xbb: {  	[dreg:$0x1] =	wrdreg $0xFFFFFFFF  }
0xbc: {  	[dreg:$0x0] =	wrdreg $0x60  }
0xbd: {  	[dreg:$0x2] =	wrdreg s24  }
0xbe: {  	[dreg:$0x3] =	wrdreg $0xA  }
0xbf: {  	_ =	task.clear_ibuf [dreg:s22], $0x4FFFF;
	_ =	strace $0x90000049  }
0xc0: {  	s29 =	simm.s32 $0xA;
	_ =	strace $0x8000004B  }
0xc1: {  	_ =	swait.ge [sflag:s29], $0x1  }
0xc2: {  	[sflag:s29] =	ssyncadd.s32 $0xFFFFFFFF  }
0xc3: {  	_ =	strace $0x9000004B  }
0xc4: {  	_ =	sfence  }
0xc5: {  	s30 =	sld [smem:$0x0];
	_ =	sdelay $0x2  }
0xc6: {  	s31 =	sshll.u32 s1, $0xD;
	s1 =	sshrl.u32 s1, $0x2  }
0xc7: {  	s4 =	sand.u32 $0x4000, s31;
	s1 =	sadd.s32 s1, s30  }
0xc8: {  	s0 =	sor.u32 s4, s0;
	s1 =	sshll.u32 s1, $0x11  }
0xc9: {  	s0 =	sor.u32 s1, s0  }
0xca: {  	s0 =	sadd.s32 $0x8F2B, s0  }
0xcb: {  	[sflag:s0] =	ssyncadd.remote.s32 $0x1  }
0xcc: {  	_ =	sfence.sel $0xFFFF  }
0xcd: {  	[dreg:$0x0] =	wrdreg $0xFFFFFFFF;
	(pc) =	sbr.abs _section_cstart, $3  }
0xce: {  	[dreg:$0x1] =	wrdreg $0xFFFFFFFF  }
0xcf: {  	_ =	task.clear_ibuf [dreg:s22], $0x2FFFF;
	_ =	strace $0x9FFFFFFF  }
0xd0: {  	(tm) =	ssettm $0x7FFFFFFF  }
0xd1: {  	_ =	shalt  }
tec
execute0_lowered:
.L_overlay_start_1:
0x0: {  	(tag) =	ssettag $0x1  }
0x1: {  	s1 =	srdreg.scid;
	s0 =	stileid.u32  }
0x2: {  	s23 =	sand.u32 $0x1, s1;
	s31 =	sshll.u32 s0, $0x1  }
0x3: {  	s21 =	rddreg [dreg:$0x0];
	s22 =	sor.u32 s23, s31  }
0x4: {  	s2 =	simm.s32 $0x0;
	s1 =	rddreg [dreg:$0x1];
	s3 =	sshll.u32 s22, $0x5  }
0x5: {  	[smem:$0x7FF] =	sst s2;
	s7 =	sadd.s32 s3, s21  }
0x6: {  	_ =	strace $0x8000004A;
	s3 =	simm.s32 $0x2;
	s4 =	sadd.s32 $0x5000, s7  }
0x7: {  	[tilespmem:s2], [sflag:$0x2] =	stream.linear.gather [hbm4b:s4+s2], $0x100, $0x38;
	[tilespmem:$0xA300] =	vst v63  }
0x8: {  	_ =	swait.ge [sflag:s3], $0x100  }
0x9: {  	[sflag:s3] =	ssyncset.done $0x0  }
0xa: {  	s6 =	simm.s32 $0x100;
	s5 =	sadd.s32 $0x4C00, s7;
	[sflag:s3] =	ssyncadd.s32 $0xFFFFFF00  }
0xb: {  	[tilespmem:s6], [sflag:$0x2] =	stream.linear.gather [hbm4b:s5+s2], $0x100, $0x38;
	[tilespmem:$0xA300] =	vst v63  }
0xc: {  	_ =	swait.ge [sflag:s3], $0x100  }
0xd: {  	[sflag:s3] =	ssyncset.done $0x0  }
0xe: {  	s8 =	simm.s32 $0x200;
	s7 =	sadd.s32 $0x4400, s7;
	[sflag:s3] =	ssyncadd.s32 $0xFFFFFF00  }
0xf: {  	[tilespmem:s8], [sflag:$0x2] =	stream.linear.gather [hbm4b:s7+s2], $0x100, $0x38;
	[tilespmem:$0xA300] =	vst v63  }
0x10: {  	_ =	swait.ge [sflag:s3], $0x100  }
0x11: {  	s10 =	simm.s32 $0x80;
	[sflag:s3] =	ssyncset.done $0x0  }
0x12: {  	s11 =	simm.s32 $0x300;
	s9 =	sadd.s32 $0x189A00, s21;
	[sflag:s3] =	ssyncadd.s32 $0xFFFFFF00  }
0x13: {  	[tilespmem:s11], [sflag:$0x1] =	stream.indirect.gather [hbm4b:s9+s10], $0x40, s2, s10, $0xb8;
	[tilespmem:$0xA300] =	vst v63  }
0x14: {  	s12 =	simm.s32 $0x4300  }
0x15: {  	[tilespmem:s12], [sflag:$0x1] =	stream.indirect.gather [hbm4b:s9+s10], $0x40, s6, s10, $0xb8;
	[tilespmem:$0xA300] =	vst v63  }
0x16: {  	s14 =	simm.s32 $0x8300;
	s13 =	sadd.s32 $0x3000, s21  }
0x17: {  	[tilespmem:s14], [sflag:$0x1] =	stream.indirect.gather [hbm4b:s13+s10], $0x20, s8, s10, $0xb8;
	[tilespmem:$0xA300] =	vst v63  }
0x18: {  	s15 =	simm.s32 $0x2300  }
0x19: {  	[tilespmem:s15], [sflag:$0x1] =	stream.indirect.gather [hbm4b:s9+s10], $0x40, s10, s10, $0xb8;
	[tilespmem:$0xA300] =	vst v63  }
0x1a: {  	s16 =	simm.s32 $0x180;
	s17 =	simm.s32 $0x6300  }
0x1b: {  	[tilespmem:s17], [sflag:$0x1] =	stream.indirect.gather [hbm4b:s9+s10], $0x40, s16, s10, $0xb8;
	[tilespmem:$0xA300] =	vst v63  }
0x1c: {  	s18 =	simm.s32 $0x280;
	s19 =	simm.s32 $0x9300;
	s20 =	simm.s32 $0x1  }
0x1d: {  	[tilespmem:s19], [sflag:$0x1] =	stream.indirect.gather [hbm4b:s13+s10], $0x20, s18, s10, $0xb8;
	[tilespmem:$0xA300] =	vst v63  }
0x1e: {  	_ =	swait.ge [sflag:s20], $0x2000  }
0x1f: {  	[sflag:s20] =	ssyncset.done $0x0  }
0x20: {  	[sflag:s20] =	ssyncadd.s32 $0xFFFFE000  }
0x21: {  	_ =	swait.ge [sflag:s20], $0x2000  }
0x22: {  	[sflag:s20] =	ssyncset.done $0x0  }
0x23: {  	[sflag:s20] =	ssyncadd.s32 $0xFFFFE000  }
0x24: {  	_ =	swait.ge [sflag:s20], $0x1000  }
0x25: {  	[sflag:s20] =	ssyncset.done $0x0  }
0x26: {  	[sflag:s20] =	ssyncadd.s32 $0xFFFFF000  }
0x27: {  	_ =	swait.ge [sflag:s20], $0x2000  }
0x28: {  	[sflag:s20] =	ssyncset.done $0x0  }
0x29: {  	[sflag:s20] =	ssyncadd.s32 $0xFFFFE000  }
0x2a: {  	_ =	swait.ge [sflag:s20], $0x2000  }
0x2b: {  	[sflag:s20] =	ssyncset.done $0x0  }
0x2c: {  	[sflag:s20] =	ssyncadd.s32 $0xFFFFE000  }
0x2d: {  	s22 =	sshll.u32 s22, $0xC;
	_ =	swait.ge [sflag:s20], $0x1000  }
0x2e: {  	s25 =	ssub.s32 $0x2, s23;
	s24 =	sadd.s32 s22, s21;
	[sflag:s20] =	ssyncset.done $0x0  }
0x2f: {  	s22 =	simm.s32 $0x40;
	s21 =	sadd.s32 $0x45400, s24;
	[sflag:s20] =	ssyncadd.s32 $0xFFFFF000  }
0x30: {  	[hbm4b:s21+s22] =	stream.strided.scatter [tilespmem:s11], [sflag:$0x2], $0x4000, s10, s22, $0x38;
	[tilespmem:$0xA300] =	vst v63  }
0x31: {  	s26 =	sshrl.u32 s25, $0x1;
	_ =	swait.ge [sflag:s3], $0x4000  }
0x32: {  	s25 =	ssub.s32 s25, s26;
	[sflag:s3] =	ssyncset.done $0x0  }
0x33: {  	s23 =	sadd.s32 $0x45408, s24;
	s26 =	smax.u32 s25, $0x1;
	[sflag:s3] =	ssyncadd.s32 $0xFFFFC000  }
0x34: {  	[hbm4b:s23+s22] =	stream.strided.scatter [tilespmem:s12], [sflag:$0x2], $0x4000, s10, s22, $0x38;
	[tilespmem:$0xA300] =	vst v63  }
0x35: {  	p0 =	sne.s32 s26, $0x1;
	_ =	swait.ge [sflag:s3], $0x4000  }
.Ltmp0:
0x36: {  	[sflag:s3] =	ssyncset.done $0x0;
	(pc) =	sbr.rel @!p0 .LBB2_2-.Ltmp0, $4  }
0x37: {  	s24 =	sadd.s32 $0x65400, s24;
	s25 =	simm.s32 $0x20;
	[sflag:s3] =	ssyncadd.s32 $0xFFFFC000  }
0x38: {  	[hbm4b:s24+s25] =	stream.strided.scatter [tilespmem:s14], [sflag:$0x2], $0x2000, s10, s25, $0x38;
	[tilespmem:$0xA300] =	vst v63  }
0x39: {  	_ =	swait.ge [sflag:s3], $0x2000  }
0x3a: {  	s26 =	sadd.s32 $0xFFFFFFFF, s26;
	[sflag:s3] =	ssyncset.done $0x0  }
.LBB2_1:
0x3b: {  	p0 =	sne.s32 s26, $0x1;
	s26 =	sadd.s32 $0xFFFFFFFF, s26;
	[sflag:s3] =	ssyncadd.s32 $0xFFFFE000  }
0x3c: {  	[tilespmem:s2], [sflag:$0x2] =	stream.linear.gather [hbm4b:s4+s2], $0x100, $0x38;
	[tilespmem:$0xA300] =	vst v63  }
0x3d: {  	_ =	swait.ge [sflag:s3], $0x100  }
0x3e: {  	[sflag:s3] =	ssyncset.done $0x0  }
0x3f: {  	[sflag:s3] =	ssyncadd.s32 $0xFFFFFF00  }
0x40: {  	[tilespmem:s6], [sflag:$0x2] =	stream.linear.gather [hbm4b:s5+s2], $0x100, $0x38;
	[tilespmem:$0xA300] =	vst v63  }
0x41: {  	_ =	swait.ge [sflag:s3], $0x100  }
0x42: {  	[sflag:s3] =	ssyncset.done $0x0  }
0x43: {  	[sflag:s3] =	ssyncadd.s32 $0xFFFFFF00  }
0x44: {  	[tilespmem:s8], [sflag:$0x2] =	stream.linear.gather [hbm4b:s7+s2], $0x100, $0x38;
	[tilespmem:$0xA300] =	vst v63  }
0x45: {  	_ =	swait.ge [sflag:s3], $0x100  }
0x46: {  	[sflag:s3] =	ssyncset.done $0x0  }
0x47: {  	[sflag:s3] =	ssyncadd.s32 $0xFFFFFF00  }
0x48: {  	[tilespmem:s11], [sflag:$0x1] =	stream.indirect.gather [hbm4b:s9+s10], $0x40, s2, s10, $0xb8;
	[tilespmem:$0xA300] =	vst v63  }
0x49: {  	_ = 	snop  }
0x4a: {  	[tilespmem:s12], [sflag:$0x1] =	stream.indirect.gather [hbm4b:s9+s10], $0x40, s6, s10, $0xb8;
	[tilespmem:$0xA300] =	vst v63  }
0x4b: {  	_ = 	snop  }
0x4c: {  	[tilespmem:s14], [sflag:$0x1] =	stream.indirect.gather [hbm4b:s13+s10], $0x20, s8, s10, $0xb8;
	[tilespmem:$0xA300] =	vst v63  }
0x4d: {  	_ = 	snop  }
0x4e: {  	[tilespmem:s15], [sflag:$0x1] =	stream.indirect.gather [hbm4b:s9+s10], $0x40, s10, s10, $0xb8;
	[tilespmem:$0xA300] =	vst v63  }
0x4f: {  	_ = 	snop  }
0x50: {  	[tilespmem:s17], [sflag:$0x1] =	stream.indirect.gather [hbm4b:s9+s10], $0x40, s16, s10, $0xb8;
	[tilespmem:$0xA300] =	vst v63  }
0x51: {  	_ = 	snop  }
0x52: {  	[tilespmem:s19], [sflag:$0x1] =	stream.indirect.gather [hbm4b:s13+s10], $0x20, s18, s10, $0xb8;
	[tilespmem:$0xA300] =	vst v63  }
0x53: {  	_ =	swait.ge [sflag:s20], $0x2000  }
0x54: {  	[sflag:s20] =	ssyncset.done $0x0  }
0x55: {  	[sflag:s20] =	ssyncadd.s32 $0xFFFFE000  }
0x56: {  	_ =	swait.ge [sflag:s20], $0x2000  }
0x57: {  	[sflag:s20] =	ssyncset.done $0x0  }
0x58: {  	[sflag:s20] =	ssyncadd.s32 $0xFFFFE000  }
0x59: {  	_ =	swait.ge [sflag:s20], $0x1000  }
0x5a: {  	[sflag:s20] =	ssyncset.done $0x0  }
0x5b: {  	[sflag:s20] =	ssyncadd.s32 $0xFFFFF000  }
0x5c: {  	_ =	swait.ge [sflag:s20], $0x2000  }
0x5d: {  	[sflag:s20] =	ssyncset.done $0x0  }
0x5e: {  	[sflag:s20] =	ssyncadd.s32 $0xFFFFE000  }
0x5f: {  	_ =	swait.ge [sflag:s20], $0x2000  }
0x60: {  	[sflag:s20] =	ssyncset.done $0x0  }
0x61: {  	[sflag:s20] =	ssyncadd.s32 $0xFFFFE000  }
0x62: {  	_ =	swait.ge [sflag:s20], $0x1000  }
0x63: {  	[sflag:s20] =	ssyncset.done $0x0  }
0x64: {  	[sflag:s20] =	ssyncadd.s32 $0xFFFFF000  }
0x65: {  	[hbm4b:s21+s22] =	stream.strided.scatter [tilespmem:s11], [sflag:$0x2], $0x4000, s10, s22, $0x38;
	[tilespmem:$0xA300] =	vst v63  }
0x66: {  	_ =	swait.ge [sflag:s3], $0x4000  }
0x67: {  	[sflag:s3] =	ssyncset.done $0x0  }
0x68: {  	[sflag:s3] =	ssyncadd.s32 $0xFFFFC000  }
0x69: {  	[hbm4b:s23+s22] =	stream.strided.scatter [tilespmem:s12], [sflag:$0x2], $0x4000, s10, s22, $0x38;
	[tilespmem:$0xA300] =	vst v63  }
0x6a: {  	_ =	swait.ge [sflag:s3], $0x4000  }
.Ltmp1:
0x6b: {  	[sflag:s3] =	ssyncset.done $0x0;
	(pc) =	sbr.rel @p0 .LBB2_1-.Ltmp1, $4  }
0x6c: {  	[sflag:s3] =	ssyncadd.s32 $0xFFFFC000  }
0x6d: {  	[hbm4b:s24+s25] =	stream.strided.scatter [tilespmem:s14], [sflag:$0x2], $0x2000, s10, s25, $0x38;
	[tilespmem:$0xA300] =	vst v63  }
0x6e: {  	_ =	swait.ge [sflag:s3], $0x2000  }
0x6f: {  	[sflag:s3] =	ssyncset.done $0x0  }
.LBB2_2:
0x70: {  	[sflag:s3] =	ssyncadd.s32 $0xFFFFE000  }
0x71: {  	_ =	sfence.sel $0x180000  }
0x72: {  	[bflag:$0x0] =	sbarrier.arrive $0xFFFF  }
0x73: {  	p0 =	sne.s32 s0, $0x0;
	_ =	strace $0x9000004A  }
0x74: {  	s0 =	sadd.s32 @!p0 $0x100000, s1;
	[bflag:$0x2] =	sbarrier.arrive $0xFFFF  }
0x75: {  	[sflag:s0] =	ssyncadd.tile.s32 @!p0 $0x1;
	_ =	shalt  }
.Lfunc_end2:
_tile_overlayer_lowered:
.L_overlay_start_2:
0x76: {  	(tag) =	ssettag $0x2  }
0x77: {  	s0 =	rddreg [dreg:$0x0];
	s2 =	stileid.u32  }
0x78: {  	s1 =	rddreg [dreg:$0x1];
	p0 =	sne.s32 s2, $0x0  }
0x79: {  	s3 =	rddreg [dreg:$0x2];
	[bflag:$0x3] =	sbarrier.arrive $0xFFFF;
	s2 =	simm.s32 @!p0 $0x1C02  }
0x7a: {  	[timem:s3], [sflag:s2] =	dma.local @!p0 [hbm:s0], s1  }
0x7b: {  	s0 =	simm.s32 @!p0 $0x2  }
0x7c: {  	_ =	swait.ge @!p0 [sflag:s0], s1  }
0x7d: {  	s1 =	ssub.s32 @!p0 $0x0, s1;
	[sflag:s0] =	ssyncset.done @!p0 $0x0  }
0x7e: {  	[sflag:s0] =	ssyncadd.s32 @!p0 s1  }
0x7f: {  	[bflag:$0x3] =	sbarrier.arrive $0xFFFF  }
0x80: {  	_ =	shalt  }

</sc_bundles>
